<compile_context>
chip_gen: v7x
topology: tpu7x:2x2x1
jax: 0.10.2.dev20260603
libtpu: 0.0.44.dev20260713+nightly
codegen_flags: <defaults>
</compile_context>

<pallas_src>
import functools

import jax
import jax.numpy as jnp
from jax import lax
from jax.experimental import pallas as pl
from jax.experimental.pallas import tpu as pltpu
import jax.experimental.pallas.tpu_sc as plsc

N = 10000
NPAD = 10240
F = 128
G = 64
NC = 2
NS = 16
NW = NC * NS
CHUNK = 128
ROWS_PER_TILE = NPAD // NS
BN = 1024
NBLK = NPAD // BN



NBUF = 4
PROP_NBUF = 2


def _deg_body(epw, dst_hbm, zeros_hbm, out_hbm,
              i0, i1, i2, i3, ones_v, deg_sp, dsem, ssem):
    c = lax.axis_index("c")
    s = lax.axis_index("s")
    w = c * NS + s
    idx_bufs = [i0, i1, i2, i3]
    nchunks = epw // CHUNK
    ngroups = nchunks // NBUF
    for i in range(CHUNK // 16):
        ones_v[pl.ds(i * 16, 16)] = jnp.ones((16,), jnp.float32)
    pltpu.sync_copy(zeros_hbm.at[pl.ds(s * ROWS_PER_TILE, ROWS_PER_TILE)],
                    deg_sp.at[pl.ds(s * ROWS_PER_TILE, ROWS_PER_TILE)])
    plsc.subcore_barrier()

    def issue(j, b):
        pltpu.async_copy(dst_hbm.at[pl.ds(w * epw + j * CHUNK, CHUNK)],
                         idx_bufs[b], dsem)

    def consume(b):
        pltpu.make_async_copy(
            dst_hbm.at[pl.ds(0, CHUNK)], idx_bufs[b], dsem).wait()
        pltpu.sync_copy(ones_v, deg_sp.at[idx_bufs[b]], add=True)

    for b in range(NBUF):
        issue(b, b)

    def group(gi, carry):
        for b in range(NBUF):
            consume(b)
            issue((gi + 1) * NBUF + b, b)
        return carry

    lax.fori_loop(0, ngroups - 1, group, 0)
    for b in range(NBUF):
        consume(b)
    plsc.subcore_barrier()
    pltpu.sync_copy(deg_sp.at[pl.ds(s * ROWS_PER_TILE, ROWS_PER_TILE)],
                    out_hbm.at[c, pl.ds(s * ROWS_PER_TILE, ROWS_PER_TILE)])


def _prop_body(epw, hs_hbm, src_hbm, dst_hbm, zeros_hbm, out_hbm,
               srcs_v, didx_v, rows_v, agg_sp, gsem):
    c = lax.axis_index("c")
    s = lax.axis_index("s")
    w = c * NS + s
    nchunks = epw // CHUNK
    pltpu.sync_copy(zeros_hbm.at[pl.ds(s * ROWS_PER_TILE, ROWS_PER_TILE)],
                    agg_sp.at[pl.ds(s * ROWS_PER_TILE, ROWS_PER_TILE)])
    pltpu.sync_copy(src_hbm.at[pl.ds(w * epw, epw)], srcs_v)
    plsc.subcore_barrier()

    def issue(j, b):
        pltpu.async_copy(hs_hbm.at[srcs_v.at[pl.ds(j * CHUNK, CHUNK)]],
                         rows_v.at[b], gsem)

    def consume(j, b):
        pltpu.make_async_copy(
            hs_hbm.at[pl.ds(0, CHUNK)], rows_v.at[b], gsem).wait()
        pltpu.sync_copy(dst_hbm.at[pl.ds(w * epw + j * CHUNK, CHUNK)], didx_v)
        pltpu.sync_copy(rows_v.at[b], agg_sp.at[didx_v], add=True)

    for b in range(PROP_NBUF):
        issue(b, b)

    def group(gi, carry):
        j = gi * PROP_NBUF
        for b in range(PROP_NBUF):
            consume(j + b, b)
            issue(j + PROP_NBUF + b, b)
        return carry

    lax.fori_loop(0, nchunks // PROP_NBUF - 1, group, 0)
    for b in range(PROP_NBUF):
        consume(nchunks - PROP_NBUF + b, b)
    plsc.subcore_barrier()
    pltpu.sync_copy(agg_sp.at[pl.ds(s * ROWS_PER_TILE, ROWS_PER_TILE)],
                    out_hbm.at[c, pl.ds(s * ROWS_PER_TILE, ROWS_PER_TILE)])


def _make_deg_call(epw):
    return pl.kernel(
        functools.partial(_deg_body, epw),
        out_type=jax.ShapeDtypeStruct((NC, NPAD), jnp.float32),
        mesh=plsc.VectorSubcoreMesh(core_axis_name="c", subcore_axis_name="s"),
        scratch_types=[
            pltpu.VMEM((CHUNK,), jnp.int32),
            pltpu.VMEM((CHUNK,), jnp.int32),
            pltpu.VMEM((CHUNK,), jnp.int32),
            pltpu.VMEM((CHUNK,), jnp.int32),
            pltpu.VMEM((CHUNK,), jnp.float32),
            pltpu.VMEM_SHARED((NPAD,), jnp.float32),
            pltpu.SemaphoreType.DMA,
            pltpu.SemaphoreType.DMA,
        ],
    )


def _make_prop_call(epw):
    return pl.kernel(
        functools.partial(_prop_body, epw),
        out_type=jax.ShapeDtypeStruct((NC, NPAD, F), jnp.float32),
        mesh=plsc.VectorSubcoreMesh(core_axis_name="c", subcore_axis_name="s"),
        scratch_types=[
            pltpu.VMEM((epw,), jnp.int32),
            pltpu.VMEM((CHUNK,), jnp.int32),
            pltpu.VMEM((PROP_NBUF, CHUNK, F), jnp.float32),
            pltpu.VMEM_SHARED((NPAD, F), jnp.float32),
            pltpu.SemaphoreType.DMA,
        ],
    )



def _dinv(degp_ref):
    deg = 1.0 + degp_ref[0] + degp_ref[1]
    return lax.rsqrt(deg)


def _mm_scale_body(degp_ref, x_ref, w_ref, o_ref):
    dinv = _dinv(degp_ref)
    h = jnp.dot(x_ref[...], w_ref[...], preferred_element_type=jnp.float32)
    o_ref[...] = h * dinv[:, None]


def _layer_mid_body(degp_ref, agg_ref, hs_ref, b_ref, w_ref, o_ref):
    dinv = _dinv(degp_ref)
    aggsum = agg_ref[0] + agg_ref[1] + hs_ref[...]
    out1 = jnp.maximum(aggsum * dinv[:, None] + b_ref[...], 0.0)
    h2 = jnp.dot(out1, w_ref[...], preferred_element_type=jnp.float32)
    o_ref[...] = h2 * dinv[:, None]


def _final_body(degp_ref, agg_ref, hs_ref, b_ref, batch_ref,
                wm1_ref, bm1_ref, wm2_ref, bm2_ref, o_ref,
                pooled_acc, counts_acc):
    i = pl.program_id(0)
    dinv = _dinv(degp_ref)
    aggsum = agg_ref[0] + agg_ref[1] + hs_ref[...]
    out2 = jnp.maximum(aggsum * dinv[:, None] + b_ref[...], 0.0)
    bt = batch_ref[0]
    onehot = (bt[:, None] == lax.broadcasted_iota(jnp.int32, (BN, G), 1)
              ).astype(jnp.float32)

    @pl.when(i == 0)
    def _():
        pooled_acc[...] = jnp.zeros_like(pooled_acc)
        counts_acc[...] = jnp.zeros_like(counts_acc)

    pooled_acc[...] += lax.dot_general(
        onehot, out2, (((0,), (0,)), ((), ())),
        preferred_element_type=jnp.float32)
    counts_acc[...] += jnp.sum(onehot, axis=0)[None, :]

    @pl.when(i == NBLK - 1)
    def _():
        counts = jnp.maximum(counts_acc[0], 1.0)
        pooled = pooled_acc[...] / counts[:, None]
        z = jnp.maximum(
            jnp.dot(pooled, wm1_ref[...], preferred_element_type=jnp.float32)
            + bm1_ref[...], 0.0)
        o_ref[...] = jnp.dot(
            z, wm2_ref[...], preferred_element_type=jnp.float32) + bm2_ref[...]


_degp_spec = pl.BlockSpec((NC, BN), lambda i: (0, i))
_row_spec = pl.BlockSpec((BN, F), lambda i: (i, 0))
_agg_spec = pl.BlockSpec((NC, BN, F), lambda i: (0, i, 0))
_full = lambda shape: pl.BlockSpec(shape, lambda i: tuple(0 for _ in shape))


def _mm_scale(degp, x, w):
    return pl.pallas_call(
        _mm_scale_body,
        grid=(NBLK,),
        in_specs=[_degp_spec, _row_spec, _full((F, F))],
        out_specs=_row_spec,
        out_shape=jax.ShapeDtypeStruct((NPAD, F), jnp.float32),
    )(degp, x, w)


def _layer_mid(degp, agg, hs, b, w):
    return pl.pallas_call(
        _layer_mid_body,
        grid=(NBLK,),
        in_specs=[_degp_spec, _agg_spec, _row_spec, _full((1, F)),
                  _full((F, F))],
        out_specs=_row_spec,
        out_shape=jax.ShapeDtypeStruct((NPAD, F), jnp.float32),
    )(degp, agg, hs, b, w)


def _final(degp, agg, hs, b, batch2d, wm1, bm1, wm2, bm2):
    return pl.pallas_call(
        _final_body,
        grid=(NBLK,),
        in_specs=[_degp_spec, _agg_spec, _row_spec, _full((1, F)),
                  pl.BlockSpec((1, BN), lambda i: (0, i)),
                  _full((F, 2 * F)), _full((1, 2 * F)),
                  _full((2 * F, F)), _full((1, F))],
        out_specs=_full((G, F)),
        out_shape=jax.ShapeDtypeStruct((G, F), jnp.float32),
        scratch_shapes=[pltpu.VMEM((G, F), jnp.float32),
                        pltpu.VMEM((1, G), jnp.float32)],
    )(degp, agg, hs, b, batch2d, wm1, bm1, wm2, bm2)



def kernel(x, edge_index, batch, W1, b1, W2, b2, Wm1, bm1, Wm2, bm2):
    E = edge_index.shape[1]
    q = CHUNK * NBUF
    epw = -(-E // (NW * q)) * q
    EPAD = epw * NW

    src = jnp.concatenate(
        [edge_index[0], jnp.zeros((EPAD - E,), jnp.int32)])
    dst = jnp.concatenate(
        [edge_index[1], N + (jnp.arange(EPAD - E, dtype=jnp.int32) % (NPAD - N))])
    xp = jnp.concatenate([x, jnp.zeros((NPAD - N, F), x.dtype)])
    batch2d = jnp.concatenate(
        [batch, jnp.full((NPAD - N,), G, batch.dtype)]).reshape(1, NPAD)
    zeros1 = jnp.zeros((NPAD,), jnp.float32)
    zeros2 = jnp.zeros((NPAD, F), jnp.float32)
    b1r = b1.reshape(1, F)
    b2r = b2.reshape(1, F)
    bm1r = bm1.reshape(1, 2 * F)
    K2 = Wm2.shape[1]
    wm2p = jnp.concatenate([Wm2, jnp.zeros((2 * F, F - K2), Wm2.dtype)], axis=1)
    bm2p = jnp.concatenate([bm2, jnp.zeros((F - K2,), bm2.dtype)]).reshape(1, F)

    degp = _make_deg_call(epw)(dst, zeros1)
    hs1 = _mm_scale(degp, xp, W1)
    prop = _make_prop_call(epw)
    agg1 = prop(hs1, src, dst, zeros2)
    hs2 = _layer_mid(degp, agg1, hs1, b1r, W2)
    agg2 = prop(hs2, src, dst, zeros2)
    out = _final(degp, agg2, hs2, b2r, batch2d, Wm1, bm1r, wm2p, bm2p)
    return out[:, :K2].reshape(G, K2 // 2, 2)

# --- scband reference (transcript-rebuilt; emitter-appended) ---
"""Pipeline reference for scband-keypoint-converter-gnn-59536836657182 (READ-ONLY COPY).

The authoritative reference and input builder live on the scoring server;
editing this copy changes nothing except your own understanding.
"""

import jax, jax.numpy as jnp
import numpy as np

N = 10000
E = 320000
F = 128
H = 128
G = 64
K = 17


def setup_inputs(seed: int = 0) -> dict:
    key = jax.random.key(seed)
    ks = jax.random.split(key, 12)
    x = jax.random.normal(ks[0], (N, F), dtype=jnp.float32)
    edge_index = jax.random.randint(ks[1], (2, E), 0, N, dtype=jnp.int32)
    batch = jnp.sort(jax.random.randint(ks[2], (N,), 0, G, dtype=jnp.int32))
    W1 = jax.random.normal(ks[3], (F, H), dtype=jnp.float32) * 0.05
    b1 = jnp.zeros((H,), dtype=jnp.float32)
    W2 = jax.random.normal(ks[4], (H, H), dtype=jnp.float32) * 0.05
    b2 = jnp.zeros((H,), dtype=jnp.float32)
    Wm1 = jax.random.normal(ks[5], (H, 2 * H), dtype=jnp.float32) * 0.05
    bm1 = jnp.zeros((2 * H,), dtype=jnp.float32)
    Wm2 = jax.random.normal(ks[6], (2 * H, K * 2), dtype=jnp.float32) * 0.05
    bm2 = jnp.zeros((K * 2,), dtype=jnp.float32)
    return {"x": x, "edge_index": edge_index, "batch": batch,
            "W1": W1, "b1": b1, "W2": W2, "b2": b2,
            "Wm1": Wm1, "bm1": bm1, "Wm2": Wm2, "bm2": bm2}


def _gcn_conv(x, edge_index, W, b):
    # GCNConv: symmetric normalization with added self-loops (PyG defaults)
    src = edge_index[0]
    dst = edge_index[1]
    loop = jnp.arange(N, dtype=edge_index.dtype)
    src = jnp.concatenate([src, loop])
    dst = jnp.concatenate([dst, loop])
    deg = jnp.zeros((N,), dtype=x.dtype).at[dst].add(1.0)
    deg_inv_sqrt = jnp.where(deg > 0, deg ** -0.5, 0.0)
    norm = deg_inv_sqrt[src] * deg_inv_sqrt[dst]
    h = x @ W
    msg = h[src] * norm[:, None]
    out = jnp.zeros((N, W.shape[1]), dtype=x.dtype).at[dst].add(msg)
    return out + b


def reference(x, edge_index, batch, W1, b1, W2, b2, Wm1, bm1, Wm2, bm2):
    h = jax.nn.relu(_gcn_conv(x, edge_index, W1, b1))
    h = jax.nn.relu(_gcn_conv(h, edge_index, W2, b2))
    # global_mean_pool over graph ids
    sums = jax.ops.segment_sum(h, batch, num_segments=G)
    counts = jax.ops.segment_sum(jnp.ones((N,), dtype=h.dtype), batch, num_segments=G)
    pooled = sums / jnp.maximum(counts, 1.0)[:, None]
    # dropout is identity in eval mode
    z = jax.nn.relu(pooled @ Wm1 + bm1)
    out_flat = z @ Wm2 + bm2
    return out_flat.reshape(-1, K, 2)

if __name__ == "__main__":
    import jax
    _d = setup_inputs()
    print(jax.jit(kernel)(*tuple(_d.values())))

</pallas_src>

<mosaic_0001>
#map = affine_map<(d0, d1) -> (0)>
#map1 = affine_map<(d0, d1) -> (0, 0)>
module attributes {stable_mosaic.version = 14 : i64} {
  func.func @_deg_body(%arg0: i32, %arg1: i32, %arg2: memref<327680xi32, #tpu.memory_space<hbm>>, %arg3: memref<10240xf32, #tpu.memory_space<hbm>>, %arg4: memref<2x10240xf32, #tpu.memory_space<hbm>>, %arg5: memref<128xi32, #tpu.memory_space<vmem>>, %arg6: memref<128xi32, #tpu.memory_space<vmem>>, %arg7: memref<128xi32, #tpu.memory_space<vmem>>, %arg8: memref<128xi32, #tpu.memory_space<vmem>>, %arg9: memref<128xf32, #tpu.memory_space<vmem>>, %arg10: memref<10240xf32, #tpu.memory_space<vmem_shared>>, %arg11: memref<!tpu.dma_semaphore, #tpu.memory_space<semaphore_mem>>, %arg12: memref<!tpu.dma_semaphore, #tpu.memory_space<semaphore_mem>>) attributes {dimension_semantics = [#tpu.dimension_semantics<core_parallel>, #tpu.dimension_semantics<subcore_parallel>], iteration_bounds = array<i64: 2, 16>, scalar_prefetch = 0 : i64, scratch_operands = 8 : i64, tpu.core_type = #tpu.core_type<sc_vector_subcore>, window_params = [{transform_indices = #map}, {transform_indices = #map}, {transform_indices = #map1}]} {
    %mul3A = arith.constant 16 : i32
    %mul3A_0 = arith.muli %arg0, %mul3A : i32
    %add3A = arith.addi %mul3A_0, %arg1 : i32
    %broadcast_in_dim3A = arith.constant 1.000000e+00 : f32
    %broadcast_in_dim3A_1 = vector.broadcast %broadcast_in_dim3A : f32 to vector<16xf32>
    %swap3A = arith.constant 0 : index
    %swap3A_2 = tpu.vector_load %arg9[%swap3A] {strides = array<i32>} : memref<128xf32, #tpu.memory_space<vmem>>, vector<16xf32>,
    %swap3A_3 = vector.shape_cast %swap3A_2 : vector<16xf32> to vector<16xf32>
    %swap3A_4 = vector.shape_cast %broadcast_in_dim3A_1 : vector<16xf32> to vector<16xf32>
    tpu.vector_store %arg9[%swap3A], %swap3A_4 {strides = array<i32>} : memref<128xf32, #tpu.memory_space<vmem>>, vector<16xf32>,
    %broadcast_in_dim3A_5 = arith.constant 1.000000e+00 : f32
    %broadcast_in_dim3A_6 = vector.broadcast %broadcast_in_dim3A_5 : f32 to vector<16xf32>
    %swap3A_7 = arith.constant 16 : index
    %swap3A_8 = tpu.vector_load %arg9[%swap3A_7] {strides = array<i32>} : memref<128xf32, #tpu.memory_space<vmem>>, vector<16xf32>,
    %swap3A_9 = vector.shape_cast %swap3A_8 : vector<16xf32> to vector<16xf32>
    %swap3A_10 = vector.shape_cast %broadcast_in_dim3A_6 : vector<16xf32> to vector<16xf32>
    tpu.vector_store %arg9[%swap3A_7], %swap3A_10 {strides = array<i32>} : memref<128xf32, #tpu.memory_space<vmem>>, vector<16xf32>,
    %broadcast_in_dim3A_11 = arith.constant 1.000000e+00 : f32
    %broadcast_in_dim3A_12 = vector.broadcast %broadcast_in_dim3A_11 : f32 to vector<16xf32>
    %swap3A_13 = arith.constant 32 : index
    %swap3A_14 = tpu.vector_load %arg9[%swap3A_13] {strides = array<i32>} : memref<128xf32, #tpu.memory_space<vmem>>, vector<16xf32>,
    %swap3A_15 = vector.shape_cast %swap3A_14 : vector<16xf32> to vector<16xf32>
    %swap3A_16 = vector.shape_cast %broadcast_in_dim3A_12 : vector<16xf32> to vector<16xf32>
    tpu.vector_store %arg9[%swap3A_13], %swap3A_16 {strides = array<i32>} : memref<128xf32, #tpu.memory_space<vmem>>, vector<16xf32>,
    %broadcast_in_dim3A_17 = arith.constant 1.000000e+00 : f32
    %broadcast_in_dim3A_18 = vector.broadcast %broadcast_in_dim3A_17 : f32 to vector<16xf32>
    %swap3A_19 = arith.constant 48 : index
    %swap3A_20 = tpu.vector_load %arg9[%swap3A_19] {strides = array<i32>} : memref<128xf32, #tpu.memory_space<vmem>>, vector<16xf32>,
    %swap3A_21 = vector.shape_cast %swap3A_20 : vector<16xf32> to vector<16xf32>
    %swap3A_22 = vector.shape_cast %broadcast_in_dim3A_18 : vector<16xf32> to vector<16xf32>
    tpu.vector_store %arg9[%swap3A_19], %swap3A_22 {strides = array<i32>} : memref<128xf32, #tpu.memory_space<vmem>>, vector<16xf32>,
    %broadcast_in_dim3A_23 = arith.constant 1.000000e+00 : f32
    %broadcast_in_dim3A_24 = vector.broadcast %broadcast_in_dim3A_23 : f32 to vector<16xf32>
    %swap3A_25 = arith.constant 64 : index
    %swap3A_26 = tpu.vector_load %arg9[%swap3A_25] {strides = array<i32>} : memref<128xf32, #tpu.memory_space<vmem>>, vector<16xf32>,
    %swap3A_27 = vector.shape_cast %swap3A_26 : vector<16xf32> to vector<16xf32>
    %swap3A_28 = vector.shape_cast %broadcast_in_dim3A_24 : vector<16xf32> to vector<16xf32>
    tpu.vector_store %arg9[%swap3A_25], %swap3A_28 {strides = array<i32>} : memref<128xf32, #tpu.memory_space<vmem>>, vector<16xf32>,
    %broadcast_in_dim3A_29 = arith.constant 1.000000e+00 : f32
    %broadcast_in_dim3A_30 = vector.broadcast %broadcast_in_dim3A_29 : f32 to vector<16xf32>
    %swap3A_31 = arith.constant 80 : index
    %swap3A_32 = tpu.vector_load %arg9[%swap3A_31] {strides = array<i32>} : memref<128xf32, #tpu.memory_space<vmem>>, vector<16xf32>,
    %swap3A_33 = vector.shape_cast %swap3A_32 : vector<16xf32> to vector<16xf32>
    %swap3A_34 = vector.shape_cast %broadcast_in_dim3A_30 : vector<16xf32> to vector<16xf32>
    tpu.vector_store %arg9[%swap3A_31], %swap3A_34 {strides = array<i32>} : memref<128xf32, #tpu.memory_space<vmem>>, vector<16xf32>,
    %broadcast_in_dim3A_35 = arith.constant 1.000000e+00 : f32
    %broadcast_in_dim3A_36 = vector.broadcast %broadcast_in_dim3A_35 : f32 to vector<16xf32>
    %swap3A_37 = arith.constant 96 : index
    %swap3A_38 = tpu.vector_load %arg9[%swap3A_37] {strides = array<i32>} : memref<128xf32, #tpu.memory_space<vmem>>, vector<16xf32>,
    %swap3A_39 = vector.shape_cast %swap3A_38 : vector<16xf32> to vector<16xf32>
    %swap3A_40 = vector.shape_cast %broadcast_in_dim3A_36 : vector<16xf32> to vector<16xf32>
    tpu.vector_store %arg9[%swap3A_37], %swap3A_40 {strides = array<i32>} : memref<128xf32, #tpu.memory_space<vmem>>, vector<16xf32>,
    %broadcast_in_dim3A_41 = arith.constant 1.000000e+00 : f32
    %broadcast_in_dim3A_42 = vector.broadcast %broadcast_in_dim3A_41 : f32 to vector<16xf32>
    %swap3A_43 = arith.constant 112 : index
    %swap3A_44 = tpu.vector_load %arg9[%swap3A_43] {strides = array<i32>} : memref<128xf32, #tpu.memory_space<vmem>>, vector<16xf32>,
    %swap3A_45 = vector.shape_cast %swap3A_44 : vector<16xf32> to vector<16xf32>
    %swap3A_46 = vector.shape_cast %broadcast_in_dim3A_42 : vector<16xf32> to vector<16xf32>
    tpu.vector_store %arg9[%swap3A_43], %swap3A_46 {strides = array<i32>} : memref<128xf32, #tpu.memory_space<vmem>>, vector<16xf32>,
    %mul3A_47 = arith.constant 640 : i32
    %mul3A_48 = arith.muli %arg1, %mul3A_47 : i32
    %mul3A_49 = arith.constant 640 : i32
    %mul3A_50 = arith.muli %arg1, %mul3A_49 : i32
    "tpu.region"() ({
      %run_scoped3A = tpu.sem_alloc : memref<!tpu.dma_semaphore, #tpu.memory_space<semaphore_mem>>
      %dma_start3A_99 = tpu.memref_slice %arg10[%mul3A_50] : memref<10240xf32, #tpu.memory_space<vmem_shared>> -> memref<640xf32, #tpu.memory_space<vmem_shared>>
      %dma_start3A_100 = tpu.memref_slice %arg3[%mul3A_48] : memref<10240xf32, #tpu.memory_space<hbm>> -> memref<640xf32, #tpu.memory_space<hbm>>
      tpu.enqueue_dma source(%dma_start3A_100 : memref<640xf32, #tpu.memory_space<hbm>>) target(%dma_start3A_99 : memref<640xf32, #tpu.memory_space<vmem_shared>>) target_semaphore(%run_scoped3A : memref<!tpu.dma_semaphore, #tpu.memory_space<semaphore_mem>>)
      %dma_wait3A_101 = tpu.memref_slice %arg10[%mul3A_50] : memref<10240xf32, #tpu.memory_space<vmem_shared>> -> memref<640xf32, #tpu.memory_space<vmem_shared>>
      %dma_wait3A_102 = tpu.memref_slice %arg3[%mul3A_48] : memref<10240xf32, #tpu.memory_space<hbm>> -> memref<640xf32, #tpu.memory_space<hbm>>
      tpu.wait_dma2 semaphore(%run_scoped3A : memref<!tpu.dma_semaphore, #tpu.memory_space<semaphore_mem>>) src(%dma_wait3A_102 : memref<640xf32, #tpu.memory_space<hbm>>) dst(%dma_wait3A_101 : memref<640xf32, #tpu.memory_space<vmem_shared>>)
      tpu.yield
    }) : () -> ()
    %barrier3A = arith.constant 0 : index
    tpu.barrier barrier_id(%barrier3A)
    %mul3A_51 = arith.constant 10240 : i32
    %mul3A_52 = arith.muli %add3A, %mul3A_51 : i32
    %add3A_53 = arith.constant 0 : i32
    %add3A_54 = arith.addi %mul3A_52, %add3A_53 : i32
    %dma_start3A = tpu.memref_slice %arg2[%add3A_54] : memref<327680xi32, #tpu.memory_space<hbm>> -> memref<128xi32, #tpu.memory_space<hbm>>
    %dma_start3A_55 = tpu.memref_slice %arg2[%add3A_54] : memref<327680xi32, #tpu.memory_space<hbm>> -> memref<128xi32, #tpu.memory_space<hbm>>
    tpu.enqueue_dma source(%dma_start3A_55 : memref<128xi32, #tpu.memory_space<hbm>>) target(%arg5 : memref<128xi32, #tpu.memory_space<vmem>>) target_semaphore(%arg11 : memref<!tpu.dma_semaphore, #tpu.memory_space<semaphore_mem>>)
    %mul3A_56 = arith.constant 10240 : i32
    %mul3A_57 = arith.muli %add3A, %mul3A_56 : i32
    %add3A_58 = arith.constant 128 : i32
    %add3A_59 = arith.addi %mul3A_57, %add3A_58 : i32
    %dma_start3A_60 = tpu.memref_slice %arg2[%add3A_59] : memref<327680xi32, #tpu.memory_space<hbm>> -> memref<128xi32, #tpu.memory_space<hbm>>
    %dma_start3A_61 = tpu.memref_slice %arg2[%add3A_59] : memref<327680xi32, #tpu.memory_space<hbm>> -> memref<128xi32, #tpu.memory_space<hbm>>
    tpu.enqueue_dma source(%dma_start3A_61 : memref<128xi32, #tpu.memory_space<hbm>>) target(%arg6 : memref<128xi32, #tpu.memory_space<vmem>>) target_semaphore(%arg11 : memref<!tpu.dma_semaphore, #tpu.memory_space<semaphore_mem>>)
    %mul3A_62 = arith.constant 10240 : i32
    %mul3A_63 = arith.muli %add3A, %mul3A_62 : i32
    %add3A_64 = arith.constant 256 : i32
    %add3A_65 = arith.addi %mul3A_63, %add3A_64 : i32
    %dma_start3A_66 = tpu.memref_slice %arg2[%add3A_65] : memref<327680xi32, #tpu.memory_space<hbm>> -> memref<128xi32, #tpu.memory_space<hbm>>
    %dma_start3A_67 = tpu.memref_slice %arg2[%add3A_65] : memref<327680xi32, #tpu.memory_space<hbm>> -> memref<128xi32, #tpu.memory_space<hbm>>
    tpu.enqueue_dma source(%dma_start3A_67 : memref<128xi32, #tpu.memory_space<hbm>>) target(%arg7 : memref<128xi32, #tpu.memory_space<vmem>>) target_semaphore(%arg11 : memref<!tpu.dma_semaphore, #tpu.memory_space<semaphore_mem>>)
    %mul3A_68 = arith.constant 10240 : i32
    %mul3A_69 = arith.muli %add3A, %mul3A_68 : i32
    %add3A_70 = arith.constant 384 : i32
    %add3A_71 = arith.addi %mul3A_69, %add3A_70 : i32
    %dma_start3A_72 = tpu.memref_slice %arg2[%add3A_71] : memref<327680xi32, #tpu.memory_space<hbm>> -> memref<128xi32, #tpu.memory_space<hbm>>
    %dma_start3A_73 = tpu.memref_slice %arg2[%add3A_71] : memref<327680xi32, #tpu.memory_space<hbm>> -> memref<128xi32, #tpu.memory_space<hbm>>
    tpu.enqueue_dma source(%dma_start3A_73 : memref<128xi32, #tpu.memory_space<hbm>>) target(%arg8 : memref<128xi32, #tpu.memory_space<vmem>>) target_semaphore(%arg11 : memref<!tpu.dma_semaphore, #tpu.memory_space<semaphore_mem>>)
    %scan3A = arith.constant 0 : i32
    %scan3A_74 = arith.constant 0 : i32
    %scan3A_75 = arith.constant 19 : i32
    %scan3A_76 = arith.addi %scan3A_74, %scan3A_75 : i32
    %scan3A_77 = arith.constant 1 : i32
    scf.for %scan3A_99 = %scan3A_74 to %scan3A_76 step %scan3A_77  : i32 {
      %dma_wait3A_100 = arith.constant 0 : i32
      %dma_wait3A_101 = tpu.memref_slice %arg2[%dma_wait3A_100] : memref<327680xi32, #tpu.memory_space<hbm>> -> memref<128xi32, #tpu.memory_space<hbm>>
      %dma_wait3A_102 = arith.constant 0 : i32
      %dma_wait3A_103 = tpu.memref_slice %arg2[%dma_wait3A_102] : memref<327680xi32, #tpu.memory_space<hbm>> -> memref<128xi32, #tpu.memory_space<hbm>>
      tpu.wait_dma2 semaphore(%arg11 : memref<!tpu.dma_semaphore, #tpu.memory_space<semaphore_mem>>) src(%dma_wait3A_103 : memref<128xi32, #tpu.memory_space<hbm>>) dst(%arg5 : memref<128xi32, #tpu.memory_space<vmem>>)
      "tpu.region"() ({
        %run_scoped3A = tpu.sem_alloc : memref<!tpu.dma_semaphore, #tpu.memory_space<semaphore_mem>>
        %dma_start3A_168 = arith.constant 0 : i32
        %dma_start3A_169 = tpu.memref_slice %arg10[%dma_start3A_168] : memref<10240xf32, #tpu.memory_space<vmem_shared>> -> memref<10240xf32, #tpu.memory_space<vmem_shared>>
        tpu.enqueue_indirect_dma source(%arg9 : memref<128xf32, #tpu.memory_space<vmem>>) target(%dma_start3A_169 : memref<10240xf32, #tpu.memory_space<vmem_shared>>) offsets(%arg5 : memref<128xi32, #tpu.memory_space<vmem>>) semaphore(%run_scoped3A : memref<!tpu.dma_semaphore, #tpu.memory_space<semaphore_mem>>) {add = true}
        %dma_wait3A_170 = arith.constant 0 : i32
        %dma_wait3A_171 = tpu.memref_slice %arg10[%dma_wait3A_170] : memref<10240xf32, #tpu.memory_space<vmem_shared>> -> memref<10240xf32, #tpu.memory_space<vmem_shared>>
        tpu.wait_indirect_dma semaphore(%run_scoped3A : memref<!tpu.dma_semaphore, #tpu.memory_space<semaphore_mem>>) src(%arg9 : memref<128xf32, #tpu.memory_space<vmem>>) dst(%dma_wait3A_171 : memref<10240xf32, #tpu.memory_space<vmem_shared>>)
        tpu.yield
      }) : () -> ()
      %add3A_104 = arith.constant 1 : i32
      %add3A_105 = arith.addi %scan3A_99, %add3A_104 : i32
      %mul3A_106 = arith.constant 4 : i32
      %mul3A_107 = arith.muli %add3A_105, %mul3A_106 : i32
      %add3A_108 = arith.constant 0 : i32
      %add3A_109 = arith.addi %mul3A_107, %add3A_108 : i32
      %mul3A_110 = arith.constant 10240 : i32
      %mul3A_111 = arith.muli %add3A, %mul3A_110 : i32
      %mul3A_112 = arith.constant 128 : i32
      %mul3A_113 = arith.muli %add3A_109, %mul3A_112 : i32
      %add3A_114 = arith.addi %mul3A_111, %mul3A_113 : i32
      %dma_start3A_115 = tpu.memref_slice %arg2[%add3A_114] : memref<327680xi32, #tpu.memory_space<hbm>> -> memref<128xi32, #tpu.memory_space<hbm>>
      %dma_start3A_116 = tpu.memref_slice %arg2[%add3A_114] : memref<327680xi32, #tpu.memory_space<hbm>> -> memref<128xi32, #tpu.memory_space<hbm>>
      tpu.enqueue_dma source(%dma_start3A_116 : memref<128xi32, #tpu.memory_space<hbm>>) target(%arg5 : memref<128xi32, #tpu.memory_space<vmem>>) target_semaphore(%arg11 : memref<!tpu.dma_semaphore, #tpu.memory_space<semaphore_mem>>)
      %dma_wait3A_117 = arith.constant 0 : i32
      %dma_wait3A_118 = tpu.memref_slice %arg2[%dma_wait3A_117] : memref<327680xi32, #tpu.memory_space<hbm>> -> memref<128xi32, #tpu.memory_space<hbm>>
      %dma_wait3A_119 = arith.constant 0 : i32
      %dma_wait3A_120 = tpu.memref_slice %arg2[%dma_wait3A_119] : memref<327680xi32, #tpu.memory_space<hbm>> -> memref<128xi32, #tpu.memory_space<hbm>>
      tpu.wait_dma2 semaphore(%arg11 : memref<!tpu.dma_semaphore, #tpu.memory_space<semaphore_mem>>) src(%dma_wait3A_120 : memref<128xi32, #tpu.memory_space<hbm>>) dst(%arg6 : memref<128xi32, #tpu.memory_space<vmem>>)
      "tpu.region"() ({
        %run_scoped3A = tpu.sem_alloc : memref<!tpu.dma_semaphore, #tpu.memory_space<semaphore_mem>>
        %dma_start3A_168 = arith.constant 0 : i32
        %dma_start3A_169 = tpu.memref_slice %arg10[%dma_start3A_168] : memref<10240xf32, #tpu.memory_space<vmem_shared>> -> memref<10240xf32, #tpu.memory_space<vmem_shared>>
        tpu.enqueue_indirect_dma source(%arg9 : memref<128xf32, #tpu.memory_space<vmem>>) target(%dma_start3A_169 : memref<10240xf32, #tpu.memory_space<vmem_shared>>) offsets(%arg6 : memref<128xi32, #tpu.memory_space<vmem>>) semaphore(%run_scoped3A : memref<!tpu.dma_semaphore, #tpu.memory_space<semaphore_mem>>) {add = true}
        %dma_wait3A_170 = arith.constant 0 : i32
        %dma_wait3A_171 = tpu.memref_slice %arg10[%dma_wait3A_170] : memref<10240xf32, #tpu.memory_space<vmem_shared>> -> memref<10240xf32, #tpu.memory_space<vmem_shared>>
        tpu.wait_indirect_dma semaphore(%run_scoped3A : memref<!tpu.dma_semaphore, #tpu.memory_space<semaphore_mem>>) src(%arg9 : memref<128xf32, #tpu.memory_space<vmem>>) dst(%dma_wait3A_171 : memref<10240xf32, #tpu.memory_space<vmem_shared>>)
        tpu.yield
      }) : () -> ()
      %add3A_121 = arith.constant 1 : i32
      %add3A_122 = arith.addi %scan3A_99, %add3A_121 : i32
      %mul3A_123 = arith.constant 4 : i32
      %mul3A_124 = arith.muli %add3A_122, %mul3A_123 : i32
      %add3A_125 = arith.constant 1 : i32
      %add3A_126 = arith.addi %mul3A_124, %add3A_125 : i32
      %mul3A_127 = arith.constant 10240 : i32
      %mul3A_128 = arith.muli %add3A, %mul3A_127 : i32
      %mul3A_129 = arith.constant 128 : i32
      %mul3A_130 = arith.muli %add3A_126, %mul3A_129 : i32
      %add3A_131 = arith.addi %mul3A_128, %mul3A_130 : i32
      %dma_start3A_132 = tpu.memref_slice %arg2[%add3A_131] : memref<327680xi32, #tpu.memory_space<hbm>> -> memref<128xi32, #tpu.memory_space<hbm>>
      %dma_start3A_133 = tpu.memref_slice %arg2[%add3A_131] : memref<327680xi32, #tpu.memory_space<hbm>> -> memref<128xi32, #tpu.memory_space<hbm>>
      tpu.enqueue_dma source(%dma_start3A_133 : memref<128xi32, #tpu.memory_space<hbm>>) target(%arg6 : memref<128xi32, #tpu.memory_space<vmem>>) target_semaphore(%arg11 : memref<!tpu.dma_semaphore, #tpu.memory_space<semaphore_mem>>)
      %dma_wait3A_134 = arith.constant 0 : i32
      %dma_wait3A_135 = tpu.memref_slice %arg2[%dma_wait3A_134] : memref<327680xi32, #tpu.memory_space<hbm>> -> memref<128xi32, #tpu.memory_space<hbm>>
      %dma_wait3A_136 = arith.constant 0 : i32
      %dma_wait3A_137 = tpu.memref_slice %arg2[%dma_wait3A_136] : memref<327680xi32, #tpu.memory_space<hbm>> -> memref<128xi32, #tpu.memory_space<hbm>>
      tpu.wait_dma2 semaphore(%arg11 : memref<!tpu.dma_semaphore, #tpu.memory_space<semaphore_mem>>) src(%dma_wait3A_137 : memref<128xi32, #tpu.memory_space<hbm>>) dst(%arg7 : memref<128xi32, #tpu.memory_space<vmem>>)
      "tpu.region"() ({
        %run_scoped3A = tpu.sem_alloc : memref<!tpu.dma_semaphore, #tpu.memory_space<semaphore_mem>>
        %dma_start3A_168 = arith.constant 0 : i32
        %dma_start3A_169 = tpu.memref_slice %arg10[%dma_start3A_168] : memref<10240xf32, #tpu.memory_space<vmem_shared>> -> memref<10240xf32, #tpu.memory_space<vmem_shared>>
        tpu.enqueue_indirect_dma source(%arg9 : memref<128xf32, #tpu.memory_space<vmem>>) target(%dma_start3A_169 : memref<10240xf32, #tpu.memory_space<vmem_shared>>) offsets(%arg7 : memref<128xi32, #tpu.memory_space<vmem>>) semaphore(%run_scoped3A : memref<!tpu.dma_semaphore, #tpu.memory_space<semaphore_mem>>) {add = true}
        %dma_wait3A_170 = arith.constant 0 : i32
        %dma_wait3A_171 = tpu.memref_slice %arg10[%dma_wait3A_170] : memref<10240xf32, #tpu.memory_space<vmem_shared>> -> memref<10240xf32, #tpu.memory_space<vmem_shared>>
        tpu.wait_indirect_dma semaphore(%run_scoped3A : memref<!tpu.dma_semaphore, #tpu.memory_space<semaphore_mem>>) src(%arg9 : memref<128xf32, #tpu.memory_space<vmem>>) dst(%dma_wait3A_171 : memref<10240xf32, #tpu.memory_space<vmem_shared>>)
        tpu.yield
      }) : () -> ()
      %add3A_138 = arith.constant 1 : i32
      %add3A_139 = arith.addi %scan3A_99, %add3A_138 : i32
      %mul3A_140 = arith.constant 4 : i32
      %mul3A_141 = arith.muli %add3A_139, %mul3A_140 : i32
      %add3A_142 = arith.constant 2 : i32
      %add3A_143 = arith.addi %mul3A_141, %add3A_142 : i32
      %mul3A_144 = arith.constant 10240 : i32
      %mul3A_145 = arith.muli %add3A, %mul3A_144 : i32
      %mul3A_146 = arith.constant 128 : i32
      %mul3A_147 = arith.muli %add3A_143, %mul3A_146 : i32
      %add3A_148 = arith.addi %mul3A_145, %mul3A_147 : i32
      %dma_start3A_149 = tpu.memref_slice %arg2[%add3A_148] : memref<327680xi32, #tpu.memory_space<hbm>> -> memref<128xi32, #tpu.memory_space<hbm>>
      %dma_start3A_150 = tpu.memref_slice %arg2[%add3A_148] : memref<327680xi32, #tpu.memory_space<hbm>> -> memref<128xi32, #tpu.memory_space<hbm>>
      tpu.enqueue_dma source(%dma_start3A_150 : memref<128xi32, #tpu.memory_space<hbm>>) target(%arg7 : memref<128xi32, #tpu.memory_space<vmem>>) target_semaphore(%arg11 : memref<!tpu.dma_semaphore, #tpu.memory_space<semaphore_mem>>)
      %dma_wait3A_151 = arith.constant 0 : i32
      %dma_wait3A_152 = tpu.memref_slice %arg2[%dma_wait3A_151] : memref<327680xi32, #tpu.memory_space<hbm>> -> memref<128xi32, #tpu.memory_space<hbm>>
      %dma_wait3A_153 = arith.constant 0 : i32
      %dma_wait3A_154 = tpu.memref_slice %arg2[%dma_wait3A_153] : memref<327680xi32, #tpu.memory_space<hbm>> -> memref<128xi32, #tpu.memory_space<hbm>>
      tpu.wait_dma2 semaphore(%arg11 : memref<!tpu.dma_semaphore, #tpu.memory_space<semaphore_mem>>) src(%dma_wait3A_154 : memref<128xi32, #tpu.memory_space<hbm>>) dst(%arg8 : memref<128xi32, #tpu.memory_space<vmem>>)
      "tpu.region"() ({
        %run_scoped3A = tpu.sem_alloc : memref<!tpu.dma_semaphore, #tpu.memory_space<semaphore_mem>>
        %dma_start3A_168 = arith.constant 0 : i32
        %dma_start3A_169 = tpu.memref_slice %arg10[%dma_start3A_168] : memref<10240xf32, #tpu.memory_space<vmem_shared>> -> memref<10240xf32, #tpu.memory_space<vmem_shared>>
        tpu.enqueue_indirect_dma source(%arg9 : memref<128xf32, #tpu.memory_space<vmem>>) target(%dma_start3A_169 : memref<10240xf32, #tpu.memory_space<vmem_shared>>) offsets(%arg8 : memref<128xi32, #tpu.memory_space<vmem>>) semaphore(%run_scoped3A : memref<!tpu.dma_semaphore, #tpu.memory_space<semaphore_mem>>) {add = true}
        %dma_wait3A_170 = arith.constant 0 : i32
        %dma_wait3A_171 = tpu.memref_slice %arg10[%dma_wait3A_170] : memref<10240xf32, #tpu.memory_space<vmem_shared>> -> memref<10240xf32, #tpu.memory_space<vmem_shared>>
        tpu.wait_indirect_dma semaphore(%run_scoped3A : memref<!tpu.dma_semaphore, #tpu.memory_space<semaphore_mem>>) src(%arg9 : memref<128xf32, #tpu.memory_space<vmem>>) dst(%dma_wait3A_171 : memref<10240xf32, #tpu.memory_space<vmem_shared>>)
        tpu.yield
      }) : () -> ()
      %add3A_155 = arith.constant 1 : i32
      %add3A_156 = arith.addi %scan3A_99, %add3A_155 : i32
      %mul3A_157 = arith.constant 4 : i32
      %mul3A_158 = arith.muli %add3A_156, %mul3A_157 : i32
      %add3A_159 = arith.constant 3 : i32
      %add3A_160 = arith.addi %mul3A_158, %add3A_159 : i32
      %mul3A_161 = arith.constant 10240 : i32
      %mul3A_162 = arith.muli %add3A, %mul3A_161 : i32
      %mul3A_163 = arith.constant 128 : i32
      %mul3A_164 = arith.muli %add3A_160, %mul3A_163 : i32
      %add3A_165 = arith.addi %mul3A_162, %mul3A_164 : i32
      %dma_start3A_166 = tpu.memref_slice %arg2[%add3A_165] : memref<327680xi32, #tpu.memory_space<hbm>> -> memref<128xi32, #tpu.memory_space<hbm>>
      %dma_start3A_167 = tpu.memref_slice %arg2[%add3A_165] : memref<327680xi32, #tpu.memory_space<hbm>> -> memref<128xi32, #tpu.memory_space<hbm>>
      tpu.enqueue_dma source(%dma_start3A_167 : memref<128xi32, #tpu.memory_space<hbm>>) target(%arg8 : memref<128xi32, #tpu.memory_space<vmem>>) target_semaphore(%arg11 : memref<!tpu.dma_semaphore, #tpu.memory_space<semaphore_mem>>)
    }
    %scan3A_78 = arith.constant 19 : i32
    %dma_wait3A = arith.constant 0 : i32
    %dma_wait3A_79 = tpu.memref_slice %arg2[%dma_wait3A] : memref<327680xi32, #tpu.memory_space<hbm>> -> memref<128xi32, #tpu.memory_space<hbm>>
    %dma_wait3A_80 = arith.constant 0 : i32
    %dma_wait3A_81 = tpu.memref_slice %arg2[%dma_wait3A_80] : memref<327680xi32, #tpu.memory_space<hbm>> -> memref<128xi32, #tpu.memory_space<hbm>>
    tpu.wait_dma2 semaphore(%arg11 : memref<!tpu.dma_semaphore, #tpu.memory_space<semaphore_mem>>) src(%dma_wait3A_81 : memref<128xi32, #tpu.memory_space<hbm>>) dst(%arg5 : memref<128xi32, #tpu.memory_space<vmem>>)
    "tpu.region"() ({
      %run_scoped3A = tpu.sem_alloc : memref<!tpu.dma_semaphore, #tpu.memory_space<semaphore_mem>>
      %dma_start3A_99 = arith.constant 0 : i32
      %dma_start3A_100 = tpu.memref_slice %arg10[%dma_start3A_99] : memref<10240xf32, #tpu.memory_space<vmem_shared>> -> memref<10240xf32, #tpu.memory_space<vmem_shared>>
      tpu.enqueue_indirect_dma source(%arg9 : memref<128xf32, #tpu.memory_space<vmem>>) target(%dma_start3A_100 : memref<10240xf32, #tpu.memory_space<vmem_shared>>) offsets(%arg5 : memref<128xi32, #tpu.memory_space<vmem>>) semaphore(%run_scoped3A : memref<!tpu.dma_semaphore, #tpu.memory_space<semaphore_mem>>) {add = true}
      %dma_wait3A_101 = arith.constant 0 : i32
      %dma_wait3A_102 = tpu.memref_slice %arg10[%dma_wait3A_101] : memref<10240xf32, #tpu.memory_space<vmem_shared>> -> memref<10240xf32, #tpu.memory_space<vmem_shared>>
      tpu.wait_indirect_dma semaphore(%run_scoped3A : memref<!tpu.dma_semaphore, #tpu.memory_space<semaphore_mem>>) src(%arg9 : memref<128xf32, #tpu.memory_space<vmem>>) dst(%dma_wait3A_102 : memref<10240xf32, #tpu.memory_space<vmem_shared>>)
      tpu.yield
    }) : () -> ()
    %dma_wait3A_82 = arith.constant 0 : i32
    %dma_wait3A_83 = tpu.memref_slice %arg2[%dma_wait3A_82] : memref<327680xi32, #tpu.memory_space<hbm>> -> memref<128xi32, #tpu.memory_space<hbm>>
    %dma_wait3A_84 = arith.constant 0 : i32
    %dma_wait3A_85 = tpu.memref_slice %arg2[%dma_wait3A_84] : memref<327680xi32, #tpu.memory_space<hbm>> -> memref<128xi32, #tpu.memory_space<hbm>>
    tpu.wait_dma2 semaphore(%arg11 : memref<!tpu.dma_semaphore, #tpu.memory_space<semaphore_mem>>) src(%dma_wait3A_85 : memref<128xi32, #tpu.memory_space<hbm>>) dst(%arg6 : memref<128xi32, #tpu.memory_space<vmem>>)
    "tpu.region"() ({
      %run_scoped3A = tpu.sem_alloc : memref<!tpu.dma_semaphore, #tpu.memory_space<semaphore_mem>>
      %dma_start3A_99 = arith.constant 0 : i32
      %dma_start3A_100 = tpu.memref_slice %arg10[%dma_start3A_99] : memref<10240xf32, #tpu.memory_space<vmem_shared>> -> memref<10240xf32, #tpu.memory_space<vmem_shared>>
      tpu.enqueue_indirect_dma source(%arg9 : memref<128xf32, #tpu.memory_space<vmem>>) target(%dma_start3A_100 : memref<10240xf32, #tpu.memory_space<vmem_shared>>) offsets(%arg6 : memref<128xi32, #tpu.memory_space<vmem>>) semaphore(%run_scoped3A : memref<!tpu.dma_semaphore, #tpu.memory_space<semaphore_mem>>) {add = true}
      %dma_wait3A_101 = arith.constant 0 : i32
      %dma_wait3A_102 = tpu.memref_slice %arg10[%dma_wait3A_101] : memref<10240xf32, #tpu.memory_space<vmem_shared>> -> memref<10240xf32, #tpu.memory_space<vmem_shared>>
      tpu.wait_indirect_dma semaphore(%run_scoped3A : memref<!tpu.dma_semaphore, #tpu.memory_space<semaphore_mem>>) src(%arg9 : memref<128xf32, #tpu.memory_space<vmem>>) dst(%dma_wait3A_102 : memref<10240xf32, #tpu.memory_space<vmem_shared>>)
      tpu.yield
    }) : () -> ()
    %dma_wait3A_86 = arith.constant 0 : i32
    %dma_wait3A_87 = tpu.memref_slice %arg2[%dma_wait3A_86] : memref<327680xi32, #tpu.memory_space<hbm>> -> memref<128xi32, #tpu.memory_space<hbm>>
    %dma_wait3A_88 = arith.constant 0 : i32
    %dma_wait3A_89 = tpu.memref_slice %arg2[%dma_wait3A_88] : memref<327680xi32, #tpu.memory_space<hbm>> -> memref<128xi32, #tpu.memory_space<hbm>>
    tpu.wait_dma2 semaphore(%arg11 : memref<!tpu.dma_semaphore, #tpu.memory_space<semaphore_mem>>) src(%dma_wait3A_89 : memref<128xi32, #tpu.memory_space<hbm>>) dst(%arg7 : memref<128xi32, #tpu.memory_space<vmem>>)
    "tpu.region"() ({
      %run_scoped3A = tpu.sem_alloc : memref<!tpu.dma_semaphore, #tpu.memory_space<semaphore_mem>>
      %dma_start3A_99 = arith.constant 0 : i32
      %dma_start3A_100 = tpu.memref_slice %arg10[%dma_start3A_99] : memref<10240xf32, #tpu.memory_space<vmem_shared>> -> memref<10240xf32, #tpu.memory_space<vmem_shared>>
      tpu.enqueue_indirect_dma source(%arg9 : memref<128xf32, #tpu.memory_space<vmem>>) target(%dma_start3A_100 : memref<10240xf32, #tpu.memory_space<vmem_shared>>) offsets(%arg7 : memref<128xi32, #tpu.memory_space<vmem>>) semaphore(%run_scoped3A : memref<!tpu.dma_semaphore, #tpu.memory_space<semaphore_mem>>) {add = true}
      %dma_wait3A_101 = arith.constant 0 : i32
      %dma_wait3A_102 = tpu.memref_slice %arg10[%dma_wait3A_101] : memref<10240xf32, #tpu.memory_space<vmem_shared>> -> memref<10240xf32, #tpu.memory_space<vmem_shared>>
      tpu.wait_indirect_dma semaphore(%run_scoped3A : memref<!tpu.dma_semaphore, #tpu.memory_space<semaphore_mem>>) src(%arg9 : memref<128xf32, #tpu.memory_space<vmem>>) dst(%dma_wait3A_102 : memref<10240xf32, #tpu.memory_space<vmem_shared>>)
      tpu.yield
    }) : () -> ()
    %dma_wait3A_90 = arith.constant 0 : i32
    %dma_wait3A_91 = tpu.memref_slice %arg2[%dma_wait3A_90] : memref<327680xi32, #tpu.memory_space<hbm>> -> memref<128xi32, #tpu.memory_space<hbm>>
    %dma_wait3A_92 = arith.constant 0 : i32
    %dma_wait3A_93 = tpu.memref_slice %arg2[%dma_wait3A_92] : memref<327680xi32, #tpu.memory_space<hbm>> -> memref<128xi32, #tpu.memory_space<hbm>>
    tpu.wait_dma2 semaphore(%arg11 : memref<!tpu.dma_semaphore, #tpu.memory_space<semaphore_mem>>) src(%dma_wait3A_93 : memref<128xi32, #tpu.memory_space<hbm>>) dst(%arg8 : memref<128xi32, #tpu.memory_space<vmem>>)
    "tpu.region"() ({
      %run_scoped3A = tpu.sem_alloc : memref<!tpu.dma_semaphore, #tpu.memory_space<semaphore_mem>>
      %dma_start3A_99 = arith.constant 0 : i32
      %dma_start3A_100 = tpu.memref_slice %arg10[%dma_start3A_99] : memref<10240xf32, #tpu.memory_space<vmem_shared>> -> memref<10240xf32, #tpu.memory_space<vmem_shared>>
      tpu.enqueue_indirect_dma source(%arg9 : memref<128xf32, #tpu.memory_space<vmem>>) target(%dma_start3A_100 : memref<10240xf32, #tpu.memory_space<vmem_shared>>) offsets(%arg8 : memref<128xi32, #tpu.memory_space<vmem>>) semaphore(%run_scoped3A : memref<!tpu.dma_semaphore, #tpu.memory_space<semaphore_mem>>) {add = true}
      %dma_wait3A_101 = arith.constant 0 : i32
      %dma_wait3A_102 = tpu.memref_slice %arg10[%dma_wait3A_101] : memref<10240xf32, #tpu.memory_space<vmem_shared>> -> memref<10240xf32, #tpu.memory_space<vmem_shared>>
      tpu.wait_indirect_dma semaphore(%run_scoped3A : memref<!tpu.dma_semaphore, #tpu.memory_space<semaphore_mem>>) src(%arg9 : memref<128xf32, #tpu.memory_space<vmem>>) dst(%dma_wait3A_102 : memref<10240xf32, #tpu.memory_space<vmem_shared>>)
      tpu.yield
    }) : () -> ()
    %barrier3A_94 = arith.constant 0 : index
    tpu.barrier barrier_id(%barrier3A_94)
    %mul3A_95 = arith.constant 640 : i32
    %mul3A_96 = arith.muli %arg1, %mul3A_95 : i32
    %mul3A_97 = arith.constant 640 : i32
    %mul3A_98 = arith.muli %arg1, %mul3A_97 : i32
    "tpu.region"() ({
      %run_scoped3A = tpu.sem_alloc : memref<!tpu.dma_semaphore, #tpu.memory_space<semaphore_mem>>
      %dma_start3A_99 = tpu.memref_slice %arg4[%arg0, %mul3A_98] : memref<2x10240xf32, #tpu.memory_space<hbm>> -> memref<1x640xf32, #tpu.memory_space<hbm>>
      %dma_start3A_100 = tpu.memref_squeeze %dma_start3A_99 : memref<1x640xf32, #tpu.memory_space<hbm>> -> memref<640xf32, #tpu.memory_space<hbm>>
      %dma_start3A_101 = tpu.memref_slice %arg10[%mul3A_96] : memref<10240xf32, #tpu.memory_space<vmem_shared>> -> memref<640xf32, #tpu.memory_space<vmem_shared>>
      tpu.enqueue_dma source(%dma_start3A_101 : memref<640xf32, #tpu.memory_space<vmem_shared>>) target(%dma_start3A_100 : memref<640xf32, #tpu.memory_space<hbm>>) target_semaphore(%run_scoped3A : memref<!tpu.dma_semaphore, #tpu.memory_space<semaphore_mem>>)
      %dma_wait3A_102 = tpu.memref_slice %arg4[%arg0, %mul3A_98] : memref<2x10240xf32, #tpu.memory_space<hbm>> -> memref<1x640xf32, #tpu.memory_space<hbm>>
      %dma_wait3A_103 = tpu.memref_squeeze %dma_wait3A_102 : memref<1x640xf32, #tpu.memory_space<hbm>> -> memref<640xf32, #tpu.memory_space<hbm>>
      %dma_wait3A_104 = tpu.memref_slice %arg10[%mul3A_96] : memref<10240xf32, #tpu.memory_space<vmem_shared>> -> memref<640xf32, #tpu.memory_space<vmem_shared>>
      tpu.wait_dma2 semaphore(%run_scoped3A : memref<!tpu.dma_semaphore, #tpu.memory_space<semaphore_mem>>) src(%dma_wait3A_104 : memref<640xf32, #tpu.memory_space<vmem_shared>>) dst(%dma_wait3A_103 : memref<640xf32, #tpu.memory_space<hbm>>)
      tpu.yield
    }) : () -> ()
    return
  }
}

#map = affine_map<(d0, d1) -> (0, 0)>
#map1 = affine_map<(d0, d1) -> (0)>
#map2 = affine_map<(d0, d1) -> (0, 0, 0)>
module attributes {stable_mosaic.version = 14 : i64} {
  func.func @_prop_body(%arg0: i32, %arg1: i32, %arg2: memref<10240x128xf32, #tpu.memory_space<hbm>>, %arg3: memref<327680xi32, #tpu.memory_space<hbm>>, %arg4: memref<327680xi32, #tpu.memory_space<hbm>>, %arg5: memref<10240x128xf32, #tpu.memory_space<hbm>>, %arg6: memref<2x10240x128xf32, #tpu.memory_space<hbm>>, %arg7: memref<10240xi32, #tpu.memory_space<vmem>>, %arg8: memref<128xi32, #tpu.memory_space<vmem>>, %arg9: memref<2x128x128xf32, #tpu.memory_space<vmem>>, %arg10: memref<10240x128xf32, #tpu.memory_space<vmem_shared>>, %arg11: memref<!tpu.dma_semaphore, #tpu.memory_space<semaphore_mem>>) attributes {dimension_semantics = [#tpu.dimension_semantics<core_parallel>, #tpu.dimension_semantics<subcore_parallel>], iteration_bounds = array<i64: 2, 16>, scalar_prefetch = 0 : i64, scratch_operands = 5 : i64, tpu.core_type = #tpu.core_type<sc_vector_subcore>, window_params = [{transform_indices = #map}, {transform_indices = #map1}, {transform_indices = #map1}, {transform_indices = #map}, {transform_indices = #map2}]} {
    %mul3A = arith.constant 16 : i32
    %mul3A_0 = arith.muli %arg0, %mul3A : i32
    %add3A = arith.addi %mul3A_0, %arg1 : i32
    %mul3A_1 = arith.constant 640 : i32
    %mul3A_2 = arith.muli %arg1, %mul3A_1 : i32
    %mul3A_3 = arith.constant 640 : i32
    %mul3A_4 = arith.muli %arg1, %mul3A_3 : i32
    "tpu.region"() ({
      %run_scoped3A_74 = tpu.sem_alloc : memref<!tpu.dma_semaphore, #tpu.memory_space<semaphore_mem>>
      %dma_start3A_75 = arith.constant 0 : i32
      %dma_start3A_76 = tpu.memref_slice %arg10[%mul3A_4, %dma_start3A_75] : memref<10240x128xf32, #tpu.memory_space<vmem_shared>> -> memref<640x128xf32, #tpu.memory_space<vmem_shared>>
      %dma_start3A_77 = arith.constant 0 : i32
      %dma_start3A_78 = tpu.memref_slice %arg5[%mul3A_2, %dma_start3A_77] : memref<10240x128xf32, #tpu.memory_space<hbm>> -> memref<640x128xf32, #tpu.memory_space<hbm>>
      tpu.enqueue_dma source(%dma_start3A_78 : memref<640x128xf32, #tpu.memory_space<hbm>>) target(%dma_start3A_76 : memref<640x128xf32, #tpu.memory_space<vmem_shared>>) target_semaphore(%run_scoped3A_74 : memref<!tpu.dma_semaphore, #tpu.memory_space<semaphore_mem>>)
      %dma_wait3A_79 = arith.constant 0 : i32
      %dma_wait3A_80 = tpu.memref_slice %arg10[%mul3A_4, %dma_wait3A_79] : memref<10240x128xf32, #tpu.memory_space<vmem_shared>> -> memref<640x128xf32, #tpu.memory_space<vmem_shared>>
      %dma_wait3A_81 = arith.constant 0 : i32
      %dma_wait3A_82 = tpu.memref_slice %arg5[%mul3A_2, %dma_wait3A_81] : memref<10240x128xf32, #tpu.memory_space<hbm>> -> memref<640x128xf32, #tpu.memory_space<hbm>>
      tpu.wait_dma2 semaphore(%run_scoped3A_74 : memref<!tpu.dma_semaphore, #tpu.memory_space<semaphore_mem>>) src(%dma_wait3A_82 : memref<640x128xf32, #tpu.memory_space<hbm>>) dst(%dma_wait3A_80 : memref<640x128xf32, #tpu.memory_space<vmem_shared>>)
      tpu.yield
    }) : () -> ()
    %mul3A_5 = arith.constant 10240 : i32
    %mul3A_6 = arith.muli %add3A, %mul3A_5 : i32
    "tpu.region"() ({
      %run_scoped3A_74 = tpu.sem_alloc : memref<!tpu.dma_semaphore, #tpu.memory_space<semaphore_mem>>
      %dma_start3A_75 = tpu.memref_slice %arg3[%mul3A_6] : memref<327680xi32, #tpu.memory_space<hbm>> -> memref<10240xi32, #tpu.memory_space<hbm>>
      %dma_start3A_76 = tpu.memref_slice %arg3[%mul3A_6] : memref<327680xi32, #tpu.memory_space<hbm>> -> memref<10240xi32, #tpu.memory_space<hbm>>
      tpu.enqueue_dma source(%dma_start3A_76 : memref<10240xi32, #tpu.memory_space<hbm>>) target(%arg7 : memref<10240xi32, #tpu.memory_space<vmem>>) target_semaphore(%run_scoped3A_74 : memref<!tpu.dma_semaphore, #tpu.memory_space<semaphore_mem>>)
      %dma_wait3A_77 = tpu.memref_slice %arg3[%mul3A_6] : memref<327680xi32, #tpu.memory_space<hbm>> -> memref<10240xi32, #tpu.memory_space<hbm>>
      %dma_wait3A_78 = tpu.memref_slice %arg3[%mul3A_6] : memref<327680xi32, #tpu.memory_space<hbm>> -> memref<10240xi32, #tpu.memory_space<hbm>>
      tpu.wait_dma2 semaphore(%run_scoped3A_74 : memref<!tpu.dma_semaphore, #tpu.memory_space<semaphore_mem>>) src(%dma_wait3A_78 : memref<10240xi32, #tpu.memory_space<hbm>>) dst(%arg7 : memref<10240xi32, #tpu.memory_space<vmem>>)
      tpu.yield
    }) : () -> ()
    %barrier3A = arith.constant 0 : index
    tpu.barrier barrier_id(%barrier3A)
    %dma_start3A = arith.constant 0 : i32
    %dma_start3A_7 = arith.constant 0 : i32
    %dma_start3A_8 = arith.constant 0 : i32
    %dma_start3A_9 = tpu.memref_slice %arg9[%dma_start3A, %dma_start3A_7, %dma_start3A_8] : memref<2x128x128xf32, #tpu.memory_space<vmem>> -> memref<1x128x128xf32, #tpu.memory_space<vmem>>
    %dma_start3A_10 = tpu.memref_squeeze %dma_start3A_9 : memref<1x128x128xf32, #tpu.memory_space<vmem>> -> memref<128x128xf32, #tpu.memory_space<vmem>>
    %dma_start3A_11 = arith.constant 0 : i32
    %dma_start3A_12 = tpu.memref_slice %arg7[%dma_start3A_11] : memref<10240xi32, #tpu.memory_space<vmem>> -> memref<128xi32, #tpu.memory_space<vmem>>
    %dma_start3A_13 = arith.constant 0 : i32
    %dma_start3A_14 = arith.constant 0 : i32
    %dma_start3A_15 = tpu.memref_slice %arg2[%dma_start3A_13, %dma_start3A_14] : memref<10240x128xf32, #tpu.memory_space<hbm>> -> memref<10240x128xf32, #tpu.memory_space<hbm>>
    tpu.enqueue_indirect_dma source(%dma_start3A_15 : memref<10240x128xf32, #tpu.memory_space<hbm>>) target(%dma_start3A_10 : memref<128x128xf32, #tpu.memory_space<vmem>>) offsets(%dma_start3A_12 : memref<128xi32, #tpu.memory_space<vmem>>) semaphore(%arg11 : memref<!tpu.dma_semaphore, #tpu.memory_space<semaphore_mem>>)
    %dma_start3A_16 = arith.constant 1 : i32
    %dma_start3A_17 = arith.constant 0 : i32
    %dma_start3A_18 = arith.constant 0 : i32
    %dma_start3A_19 = tpu.memref_slice %arg9[%dma_start3A_16, %dma_start3A_17, %dma_start3A_18] : memref<2x128x128xf32, #tpu.memory_space<vmem>> -> memref<1x128x128xf32, #tpu.memory_space<vmem>>
    %dma_start3A_20 = tpu.memref_squeeze %dma_start3A_19 : memref<1x128x128xf32, #tpu.memory_space<vmem>> -> memref<128x128xf32, #tpu.memory_space<vmem>>
    %dma_start3A_21 = arith.constant 128 : i32
    %dma_start3A_22 = tpu.memref_slice %arg7[%dma_start3A_21] : memref<10240xi32, #tpu.memory_space<vmem>> -> memref<128xi32, #tpu.memory_space<vmem>>
    %dma_start3A_23 = arith.constant 0 : i32
    %dma_start3A_24 = arith.constant 0 : i32
    %dma_start3A_25 = tpu.memref_slice %arg2[%dma_start3A_23, %dma_start3A_24] : memref<10240x128xf32, #tpu.memory_space<hbm>> -> memref<10240x128xf32, #tpu.memory_space<hbm>>
    tpu.enqueue_indirect_dma source(%dma_start3A_25 : memref<10240x128xf32, #tpu.memory_space<hbm>>) target(%dma_start3A_20 : memref<128x128xf32, #tpu.memory_space<vmem>>) offsets(%dma_start3A_22 : memref<128xi32, #tpu.memory_space<vmem>>) semaphore(%arg11 : memref<!tpu.dma_semaphore, #tpu.memory_space<semaphore_mem>>)
    %scan3A = arith.constant 0 : i32
    %scan3A_26 = arith.constant 0 : i32
    %scan3A_27 = arith.constant 39 : i32
    %scan3A_28 = arith.addi %scan3A_26, %scan3A_27 : i32
    %scan3A_29 = arith.constant 1 : i32
    scf.for %scan3A_74 = %scan3A_26 to %scan3A_28 step %scan3A_29  : i32 {
      %mul3A_75 = arith.constant 2 : i32
      %mul3A_76 = arith.muli %scan3A_74, %mul3A_75 : i32
      %add3A_77 = arith.constant 0 : i32
      %add3A_78 = arith.addi %mul3A_76, %add3A_77 : i32
      %dma_wait3A_79 = arith.constant 0 : i32
      %dma_wait3A_80 = arith.constant 0 : i32
      %dma_wait3A_81 = arith.constant 0 : i32
      %dma_wait3A_82 = tpu.memref_slice %arg9[%dma_wait3A_79, %dma_wait3A_80, %dma_wait3A_81] : memref<2x128x128xf32, #tpu.memory_space<vmem>> -> memref<1x128x128xf32, #tpu.memory_space<vmem>>
      %dma_wait3A_83 = tpu.memref_squeeze %dma_wait3A_82 : memref<1x128x128xf32, #tpu.memory_space<vmem>> -> memref<128x128xf32, #tpu.memory_space<vmem>>
      %dma_wait3A_84 = arith.constant 0 : i32
      %dma_wait3A_85 = arith.constant 0 : i32
      %dma_wait3A_86 = tpu.memref_slice %arg2[%dma_wait3A_84, %dma_wait3A_85] : memref<10240x128xf32, #tpu.memory_space<hbm>> -> memref<128x128xf32, #tpu.memory_space<hbm>>
      %dma_wait3A_87 = arith.constant 0 : i32
      %dma_wait3A_88 = arith.constant 0 : i32
      %dma_wait3A_89 = tpu.memref_slice %arg9[%dma_wait3A_79, %dma_wait3A_87, %dma_wait3A_88] : memref<2x128x128xf32, #tpu.memory_space<vmem>> -> memref<1x128x128xf32, #tpu.memory_space<vmem>>
      %dma_wait3A_90 = tpu.memref_squeeze %dma_wait3A_89 : memref<1x128x128xf32, #tpu.memory_space<vmem>> -> memref<128x128xf32, #tpu.memory_space<vmem>>
      %dma_wait3A_91 = arith.constant 0 : i32
      %dma_wait3A_92 = arith.constant 0 : i32
      %dma_wait3A_93 = tpu.memref_slice %arg2[%dma_wait3A_91, %dma_wait3A_92] : memref<10240x128xf32, #tpu.memory_space<hbm>> -> memref<128x128xf32, #tpu.memory_space<hbm>>
      tpu.wait_dma2 semaphore(%arg11 : memref<!tpu.dma_semaphore, #tpu.memory_space<semaphore_mem>>) src(%dma_wait3A_93 : memref<128x128xf32, #tpu.memory_space<hbm>>) dst(%dma_wait3A_90 : memref<128x128xf32, #tpu.memory_space<vmem>>)
      %mul3A_94 = arith.constant 10240 : i32
      %mul3A_95 = arith.muli %add3A, %mul3A_94 : i32
      %mul3A_96 = arith.constant 128 : i32
      %mul3A_97 = arith.muli %add3A_78, %mul3A_96 : i32
      %add3A_98 = arith.addi %mul3A_95, %mul3A_97 : i32
      "tpu.region"() ({
        %run_scoped3A_153 = tpu.sem_alloc : memref<!tpu.dma_semaphore, #tpu.memory_space<semaphore_mem>>
        %dma_start3A_154 = tpu.memref_slice %arg4[%add3A_98] : memref<327680xi32, #tpu.memory_space<hbm>> -> memref<128xi32, #tpu.memory_space<hbm>>
        %dma_start3A_155 = tpu.memref_slice %arg4[%add3A_98] : memref<327680xi32, #tpu.memory_space<hbm>> -> memref<128xi32, #tpu.memory_space<hbm>>
        tpu.enqueue_dma source(%dma_start3A_155 : memref<128xi32, #tpu.memory_space<hbm>>) target(%arg8 : memref<128xi32, #tpu.memory_space<vmem>>) target_semaphore(%run_scoped3A_153 : memref<!tpu.dma_semaphore, #tpu.memory_space<semaphore_mem>>)
        %dma_wait3A_156 = tpu.memref_slice %arg4[%add3A_98] : memref<327680xi32, #tpu.memory_space<hbm>> -> memref<128xi32, #tpu.memory_space<hbm>>
        %dma_wait3A_157 = tpu.memref_slice %arg4[%add3A_98] : memref<327680xi32, #tpu.memory_space<hbm>> -> memref<128xi32, #tpu.memory_space<hbm>>
        tpu.wait_dma2 semaphore(%run_scoped3A_153 : memref<!tpu.dma_semaphore, #tpu.memory_space<semaphore_mem>>) src(%dma_wait3A_157 : memref<128xi32, #tpu.memory_space<hbm>>) dst(%arg8 : memref<128xi32, #tpu.memory_space<vmem>>)
        tpu.yield
      }) : () -> ()
      %run_scoped3A_99 = arith.constant 0 : i32
      "tpu.region"() ({
        %run_scoped3A_153 = tpu.sem_alloc : memref<!tpu.dma_semaphore, #tpu.memory_space<semaphore_mem>>
        %dma_start3A_154 = arith.constant 0 : i32
        %dma_start3A_155 = arith.constant 0 : i32
        %dma_start3A_156 = tpu.memref_slice %arg9[%run_scoped3A_99, %dma_start3A_154, %dma_start3A_155] : memref<2x128x128xf32, #tpu.memory_space<vmem>> -> memref<1x128x128xf32, #tpu.memory_space<vmem>>
        %dma_start3A_157 = tpu.memref_squeeze %dma_start3A_156 : memref<1x128x128xf32, #tpu.memory_space<vmem>> -> memref<128x128xf32, #tpu.memory_space<vmem>>
        %dma_start3A_158 = arith.constant 0 : i32
        %dma_start3A_159 = arith.constant 0 : i32
        %dma_start3A_160 = tpu.memref_slice %arg10[%dma_start3A_158, %dma_start3A_159] : memref<10240x128xf32, #tpu.memory_space<vmem_shared>> -> memref<10240x128xf32, #tpu.memory_space<vmem_shared>>
        tpu.enqueue_indirect_dma source(%dma_start3A_157 : memref<128x128xf32, #tpu.memory_space<vmem>>) target(%dma_start3A_160 : memref<10240x128xf32, #tpu.memory_space<vmem_shared>>) offsets(%arg8 : memref<128xi32, #tpu.memory_space<vmem>>) semaphore(%run_scoped3A_153 : memref<!tpu.dma_semaphore, #tpu.memory_space<semaphore_mem>>) {add = true}
        %dma_wait3A_161 = arith.constant 0 : i32
        %dma_wait3A_162 = arith.constant 0 : i32
        %dma_wait3A_163 = tpu.memref_slice %arg9[%run_scoped3A_99, %dma_wait3A_161, %dma_wait3A_162] : memref<2x128x128xf32, #tpu.memory_space<vmem>> -> memref<1x128x128xf32, #tpu.memory_space<vmem>>
        %dma_wait3A_164 = tpu.memref_squeeze %dma_wait3A_163 : memref<1x128x128xf32, #tpu.memory_space<vmem>> -> memref<128x128xf32, #tpu.memory_space<vmem>>
        %dma_wait3A_165 = arith.constant 0 : i32
        %dma_wait3A_166 = arith.constant 0 : i32
        %dma_wait3A_167 = tpu.memref_slice %arg10[%dma_wait3A_165, %dma_wait3A_166] : memref<10240x128xf32, #tpu.memory_space<vmem_shared>> -> memref<10240x128xf32, #tpu.memory_space<vmem_shared>>
        tpu.wait_indirect_dma semaphore(%run_scoped3A_153 : memref<!tpu.dma_semaphore, #tpu.memory_space<semaphore_mem>>) src(%dma_wait3A_164 : memref<128x128xf32, #tpu.memory_space<vmem>>) dst(%dma_wait3A_167 : memref<10240x128xf32, #tpu.memory_space<vmem_shared>>)
        tpu.yield
      }) : () -> ()
      %add3A_100 = arith.constant 2 : i32
      %add3A_101 = arith.addi %mul3A_76, %add3A_100 : i32
      %add3A_102 = arith.constant 0 : i32
      %add3A_103 = arith.addi %add3A_101, %add3A_102 : i32
      %mul3A_104 = arith.constant 128 : i32
      %mul3A_105 = arith.muli %add3A_103, %mul3A_104 : i32
      %dma_start3A_106 = arith.constant 0 : i32
      %dma_start3A_107 = arith.constant 0 : i32
      %dma_start3A_108 = arith.constant 0 : i32
      %dma_start3A_109 = tpu.memref_slice %arg9[%dma_start3A_106, %dma_start3A_107, %dma_start3A_108] : memref<2x128x128xf32, #tpu.memory_space<vmem>> -> memref<1x128x128xf32, #tpu.memory_space<vmem>>
      %dma_start3A_110 = tpu.memref_squeeze %dma_start3A_109 : memref<1x128x128xf32, #tpu.memory_space<vmem>> -> memref<128x128xf32, #tpu.memory_space<vmem>>
      %dma_start3A_111 = tpu.memref_slice %arg7[%mul3A_105] : memref<10240xi32, #tpu.memory_space<vmem>> -> memref<128xi32, #tpu.memory_space<vmem>>
      %dma_start3A_112 = arith.constant 0 : i32
      %dma_start3A_113 = arith.constant 0 : i32
      %dma_start3A_114 = tpu.memref_slice %arg2[%dma_start3A_112, %dma_start3A_113] : memref<10240x128xf32, #tpu.memory_space<hbm>> -> memref<10240x128xf32, #tpu.memory_space<hbm>>
      tpu.enqueue_indirect_dma source(%dma_start3A_114 : memref<10240x128xf32, #tpu.memory_space<hbm>>) target(%dma_start3A_110 : memref<128x128xf32, #tpu.memory_space<vmem>>) offsets(%dma_start3A_111 : memref<128xi32, #tpu.memory_space<vmem>>) semaphore(%arg11 : memref<!tpu.dma_semaphore, #tpu.memory_space<semaphore_mem>>)
      %add3A_115 = arith.constant 1 : i32
      %add3A_116 = arith.addi %mul3A_76, %add3A_115 : i32
      %dma_wait3A_117 = arith.constant 1 : i32
      %dma_wait3A_118 = arith.constant 0 : i32
      %dma_wait3A_119 = arith.constant 0 : i32
      %dma_wait3A_120 = tpu.memref_slice %arg9[%dma_wait3A_117, %dma_wait3A_118, %dma_wait3A_119] : memref<2x128x128xf32, #tpu.memory_space<vmem>> -> memref<1x128x128xf32, #tpu.memory_space<vmem>>
      %dma_wait3A_121 = tpu.memref_squeeze %dma_wait3A_120 : memref<1x128x128xf32, #tpu.memory_space<vmem>> -> memref<128x128xf32, #tpu.memory_space<vmem>>
      %dma_wait3A_122 = arith.constant 0 : i32
      %dma_wait3A_123 = arith.constant 0 : i32
      %dma_wait3A_124 = tpu.memref_slice %arg2[%dma_wait3A_122, %dma_wait3A_123] : memref<10240x128xf32, #tpu.memory_space<hbm>> -> memref<128x128xf32, #tpu.memory_space<hbm>>
      %dma_wait3A_125 = arith.constant 0 : i32
      %dma_wait3A_126 = arith.constant 0 : i32
      %dma_wait3A_127 = tpu.memref_slice %arg9[%dma_wait3A_117, %dma_wait3A_125, %dma_wait3A_126] : memref<2x128x128xf32, #tpu.memory_space<vmem>> -> memref<1x128x128xf32, #tpu.memory_space<vmem>>
      %dma_wait3A_128 = tpu.memref_squeeze %dma_wait3A_127 : memref<1x128x128xf32, #tpu.memory_space<vmem>> -> memref<128x128xf32, #tpu.memory_space<vmem>>
      %dma_wait3A_129 = arith.constant 0 : i32
      %dma_wait3A_130 = arith.constant 0 : i32
      %dma_wait3A_131 = tpu.memref_slice %arg2[%dma_wait3A_129, %dma_wait3A_130] : memref<10240x128xf32, #tpu.memory_space<hbm>> -> memref<128x128xf32, #tpu.memory_space<hbm>>
      tpu.wait_dma2 semaphore(%arg11 : memref<!tpu.dma_semaphore, #tpu.memory_space<semaphore_mem>>) src(%dma_wait3A_131 : memref<128x128xf32, #tpu.memory_space<hbm>>) dst(%dma_wait3A_128 : memref<128x128xf32, #tpu.memory_space<vmem>>)
      %mul3A_132 = arith.constant 10240 : i32
      %mul3A_133 = arith.muli %add3A, %mul3A_132 : i32
      %mul3A_134 = arith.constant 128 : i32
      %mul3A_135 = arith.muli %add3A_116, %mul3A_134 : i32
      %add3A_136 = arith.addi %mul3A_133, %mul3A_135 : i32
      "tpu.region"() ({
        %run_scoped3A_153 = tpu.sem_alloc : memref<!tpu.dma_semaphore, #tpu.memory_space<semaphore_mem>>
        %dma_start3A_154 = tpu.memref_slice %arg4[%add3A_136] : memref<327680xi32, #tpu.memory_space<hbm>> -> memref<128xi32, #tpu.memory_space<hbm>>
        %dma_start3A_155 = tpu.memref_slice %arg4[%add3A_136] : memref<327680xi32, #tpu.memory_space<hbm>> -> memref<128xi32, #tpu.memory_space<hbm>>
        tpu.enqueue_dma source(%dma_start3A_155 : memref<128xi32, #tpu.memory_space<hbm>>) target(%arg8 : memref<128xi32, #tpu.memory_space<vmem>>) target_semaphore(%run_scoped3A_153 : memref<!tpu.dma_semaphore, #tpu.memory_space<semaphore_mem>>)
        %dma_wait3A_156 = tpu.memref_slice %arg4[%add3A_136] : memref<327680xi32, #tpu.memory_space<hbm>> -> memref<128xi32, #tpu.memory_space<hbm>>
        %dma_wait3A_157 = tpu.memref_slice %arg4[%add3A_136] : memref<327680xi32, #tpu.memory_space<hbm>> -> memref<128xi32, #tpu.memory_space<hbm>>
        tpu.wait_dma2 semaphore(%run_scoped3A_153 : memref<!tpu.dma_semaphore, #tpu.memory_space<semaphore_mem>>) src(%dma_wait3A_157 : memref<128xi32, #tpu.memory_space<hbm>>) dst(%arg8 : memref<128xi32, #tpu.memory_space<vmem>>)
        tpu.yield
      }) : () -> ()
      %run_scoped3A_137 = arith.constant 1 : i32
      "tpu.region"() ({
        %run_scoped3A_153 = tpu.sem_alloc : memref<!tpu.dma_semaphore, #tpu.memory_space<semaphore_mem>>
        %dma_start3A_154 = arith.constant 0 : i32
        %dma_start3A_155 = arith.constant 0 : i32
        %dma_start3A_156 = tpu.memref_slice %arg9[%run_scoped3A_137, %dma_start3A_154, %dma_start3A_155] : memref<2x128x128xf32, #tpu.memory_space<vmem>> -> memref<1x128x128xf32, #tpu.memory_space<vmem>>
        %dma_start3A_157 = tpu.memref_squeeze %dma_start3A_156 : memref<1x128x128xf32, #tpu.memory_space<vmem>> -> memref<128x128xf32, #tpu.memory_space<vmem>>
        %dma_start3A_158 = arith.constant 0 : i32
        %dma_start3A_159 = arith.constant 0 : i32
        %dma_start3A_160 = tpu.memref_slice %arg10[%dma_start3A_158, %dma_start3A_159] : memref<10240x128xf32, #tpu.memory_space<vmem_shared>> -> memref<10240x128xf32, #tpu.memory_space<vmem_shared>>
        tpu.enqueue_indirect_dma source(%dma_start3A_157 : memref<128x128xf32, #tpu.memory_space<vmem>>) target(%dma_start3A_160 : memref<10240x128xf32, #tpu.memory_space<vmem_shared>>) offsets(%arg8 : memref<128xi32, #tpu.memory_space<vmem>>) semaphore(%run_scoped3A_153 : memref<!tpu.dma_semaphore, #tpu.memory_space<semaphore_mem>>) {add = true}
        %dma_wait3A_161 = arith.constant 0 : i32
        %dma_wait3A_162 = arith.constant 0 : i32
        %dma_wait3A_163 = tpu.memref_slice %arg9[%run_scoped3A_137, %dma_wait3A_161, %dma_wait3A_162] : memref<2x128x128xf32, #tpu.memory_space<vmem>> -> memref<1x128x128xf32, #tpu.memory_space<vmem>>
        %dma_wait3A_164 = tpu.memref_squeeze %dma_wait3A_163 : memref<1x128x128xf32, #tpu.memory_space<vmem>> -> memref<128x128xf32, #tpu.memory_space<vmem>>
        %dma_wait3A_165 = arith.constant 0 : i32
        %dma_wait3A_166 = arith.constant 0 : i32
        %dma_wait3A_167 = tpu.memref_slice %arg10[%dma_wait3A_165, %dma_wait3A_166] : memref<10240x128xf32, #tpu.memory_space<vmem_shared>> -> memref<10240x128xf32, #tpu.memory_space<vmem_shared>>
        tpu.wait_indirect_dma semaphore(%run_scoped3A_153 : memref<!tpu.dma_semaphore, #tpu.memory_space<semaphore_mem>>) src(%dma_wait3A_164 : memref<128x128xf32, #tpu.memory_space<vmem>>) dst(%dma_wait3A_167 : memref<10240x128xf32, #tpu.memory_space<vmem_shared>>)
        tpu.yield
      }) : () -> ()
      %add3A_138 = arith.constant 2 : i32
      %add3A_139 = arith.addi %mul3A_76, %add3A_138 : i32
      %add3A_140 = arith.constant 1 : i32
      %add3A_141 = arith.addi %add3A_139, %add3A_140 : i32
      %mul3A_142 = arith.constant 128 : i32
      %mul3A_143 = arith.muli %add3A_141, %mul3A_142 : i32
      %dma_start3A_144 = arith.constant 1 : i32
      %dma_start3A_145 = arith.constant 0 : i32
      %dma_start3A_146 = arith.constant 0 : i32
      %dma_start3A_147 = tpu.memref_slice %arg9[%dma_start3A_144, %dma_start3A_145, %dma_start3A_146] : memref<2x128x128xf32, #tpu.memory_space<vmem>> -> memref<1x128x128xf32, #tpu.memory_space<vmem>>
      %dma_start3A_148 = tpu.memref_squeeze %dma_start3A_147 : memref<1x128x128xf32, #tpu.memory_space<vmem>> -> memref<128x128xf32, #tpu.memory_space<vmem>>
      %dma_start3A_149 = tpu.memref_slice %arg7[%mul3A_143] : memref<10240xi32, #tpu.memory_space<vmem>> -> memref<128xi32, #tpu.memory_space<vmem>>
      %dma_start3A_150 = arith.constant 0 : i32
      %dma_start3A_151 = arith.constant 0 : i32
      %dma_start3A_152 = tpu.memref_slice %arg2[%dma_start3A_150, %dma_start3A_151] : memref<10240x128xf32, #tpu.memory_space<hbm>> -> memref<10240x128xf32, #tpu.memory_space<hbm>>
      tpu.enqueue_indirect_dma source(%dma_start3A_152 : memref<10240x128xf32, #tpu.memory_space<hbm>>) target(%dma_start3A_148 : memref<128x128xf32, #tpu.memory_space<vmem>>) offsets(%dma_start3A_149 : memref<128xi32, #tpu.memory_space<vmem>>) semaphore(%arg11 : memref<!tpu.dma_semaphore, #tpu.memory_space<semaphore_mem>>)
    }
    %scan3A_30 = arith.constant 39 : i32
    %dma_wait3A = arith.constant 0 : i32
    %dma_wait3A_31 = arith.constant 0 : i32
    %dma_wait3A_32 = arith.constant 0 : i32
    %dma_wait3A_33 = tpu.memref_slice %arg9[%dma_wait3A, %dma_wait3A_31, %dma_wait3A_32] : memref<2x128x128xf32, #tpu.memory_space<vmem>> -> memref<1x128x128xf32, #tpu.memory_space<vmem>>
    %dma_wait3A_34 = tpu.memref_squeeze %dma_wait3A_33 : memref<1x128x128xf32, #tpu.memory_space<vmem>> -> memref<128x128xf32, #tpu.memory_space<vmem>>
    %dma_wait3A_35 = arith.constant 0 : i32
    %dma_wait3A_36 = arith.constant 0 : i32
    %dma_wait3A_37 = tpu.memref_slice %arg2[%dma_wait3A_35, %dma_wait3A_36] : memref<10240x128xf32, #tpu.memory_space<hbm>> -> memref<128x128xf32, #tpu.memory_space<hbm>>
    %dma_wait3A_38 = arith.constant 0 : i32
    %dma_wait3A_39 = arith.constant 0 : i32
    %dma_wait3A_40 = tpu.memref_slice %arg9[%dma_wait3A, %dma_wait3A_38, %dma_wait3A_39] : memref<2x128x128xf32, #tpu.memory_space<vmem>> -> memref<1x128x128xf32, #tpu.memory_space<vmem>>
    %dma_wait3A_41 = tpu.memref_squeeze %dma_wait3A_40 : memref<1x128x128xf32, #tpu.memory_space<vmem>> -> memref<128x128xf32, #tpu.memory_space<vmem>>
    %dma_wait3A_42 = arith.constant 0 : i32
    %dma_wait3A_43 = arith.constant 0 : i32
    %dma_wait3A_44 = tpu.memref_slice %arg2[%dma_wait3A_42, %dma_wait3A_43] : memref<10240x128xf32, #tpu.memory_space<hbm>> -> memref<128x128xf32, #tpu.memory_space<hbm>>
    tpu.wait_dma2 semaphore(%arg11 : memref<!tpu.dma_semaphore, #tpu.memory_space<semaphore_mem>>) src(%dma_wait3A_44 : memref<128x128xf32, #tpu.memory_space<hbm>>) dst(%dma_wait3A_41 : memref<128x128xf32, #tpu.memory_space<vmem>>)
    %mul3A_45 = arith.constant 10240 : i32
    %mul3A_46 = arith.muli %add3A, %mul3A_45 : i32
    %add3A_47 = arith.constant 9984 : i32
    %add3A_48 = arith.addi %mul3A_46, %add3A_47 : i32
    "tpu.region"() ({
      %run_scoped3A_74 = tpu.sem_alloc : memref<!tpu.dma_semaphore, #tpu.memory_space<semaphore_mem>>
      %dma_start3A_75 = tpu.memref_slice %arg4[%add3A_48] : memref<327680xi32, #tpu.memory_space<hbm>> -> memref<128xi32, #tpu.memory_space<hbm>>
      %dma_start3A_76 = tpu.memref_slice %arg4[%add3A_48] : memref<327680xi32, #tpu.memory_space<hbm>> -> memref<128xi32, #tpu.memory_space<hbm>>
      tpu.enqueue_dma source(%dma_start3A_76 : memref<128xi32, #tpu.memory_space<hbm>>) target(%arg8 : memref<128xi32, #tpu.memory_space<vmem>>) target_semaphore(%run_scoped3A_74 : memref<!tpu.dma_semaphore, #tpu.memory_space<semaphore_mem>>)
      %dma_wait3A_77 = tpu.memref_slice %arg4[%add3A_48] : memref<327680xi32, #tpu.memory_space<hbm>> -> memref<128xi32, #tpu.memory_space<hbm>>
      %dma_wait3A_78 = tpu.memref_slice %arg4[%add3A_48] : memref<327680xi32, #tpu.memory_space<hbm>> -> memref<128xi32, #tpu.memory_space<hbm>>
      tpu.wait_dma2 semaphore(%run_scoped3A_74 : memref<!tpu.dma_semaphore, #tpu.memory_space<semaphore_mem>>) src(%dma_wait3A_78 : memref<128xi32, #tpu.memory_space<hbm>>) dst(%arg8 : memref<128xi32, #tpu.memory_space<vmem>>)
      tpu.yield
    }) : () -> ()
    %run_scoped3A = arith.constant 0 : i32
    "tpu.region"() ({
      %run_scoped3A_74 = tpu.sem_alloc : memref<!tpu.dma_semaphore, #tpu.memory_space<semaphore_mem>>
      %dma_start3A_75 = arith.constant 0 : i32
      %dma_start3A_76 = arith.constant 0 : i32
      %dma_start3A_77 = tpu.memref_slice %arg9[%run_scoped3A, %dma_start3A_75, %dma_start3A_76] : memref<2x128x128xf32, #tpu.memory_space<vmem>> -> memref<1x128x128xf32, #tpu.memory_space<vmem>>
      %dma_start3A_78 = tpu.memref_squeeze %dma_start3A_77 : memref<1x128x128xf32, #tpu.memory_space<vmem>> -> memref<128x128xf32, #tpu.memory_space<vmem>>
      %dma_start3A_79 = arith.constant 0 : i32
      %dma_start3A_80 = arith.constant 0 : i32
      %dma_start3A_81 = tpu.memref_slice %arg10[%dma_start3A_79, %dma_start3A_80] : memref<10240x128xf32, #tpu.memory_space<vmem_shared>> -> memref<10240x128xf32, #tpu.memory_space<vmem_shared>>
      tpu.enqueue_indirect_dma source(%dma_start3A_78 : memref<128x128xf32, #tpu.memory_space<vmem>>) target(%dma_start3A_81 : memref<10240x128xf32, #tpu.memory_space<vmem_shared>>) offsets(%arg8 : memref<128xi32, #tpu.memory_space<vmem>>) semaphore(%run_scoped3A_74 : memref<!tpu.dma_semaphore, #tpu.memory_space<semaphore_mem>>) {add = true}
      %dma_wait3A_82 = arith.constant 0 : i32
      %dma_wait3A_83 = arith.constant 0 : i32
      %dma_wait3A_84 = tpu.memref_slice %arg9[%run_scoped3A, %dma_wait3A_82, %dma_wait3A_83] : memref<2x128x128xf32, #tpu.memory_space<vmem>> -> memref<1x128x128xf32, #tpu.memory_space<vmem>>
      %dma_wait3A_85 = tpu.memref_squeeze %dma_wait3A_84 : memref<1x128x128xf32, #tpu.memory_space<vmem>> -> memref<128x128xf32, #tpu.memory_space<vmem>>
      %dma_wait3A_86 = arith.constant 0 : i32
      %dma_wait3A_87 = arith.constant 0 : i32
      %dma_wait3A_88 = tpu.memref_slice %arg10[%dma_wait3A_86, %dma_wait3A_87] : memref<10240x128xf32, #tpu.memory_space<vmem_shared>> -> memref<10240x128xf32, #tpu.memory_space<vmem_shared>>
      tpu.wait_indirect_dma semaphore(%run_scoped3A_74 : memref<!tpu.dma_semaphore, #tpu.memory_space<semaphore_mem>>) src(%dma_wait3A_85 : memref<128x128xf32, #tpu.memory_space<vmem>>) dst(%dma_wait3A_88 : memref<10240x128xf32, #tpu.memory_space<vmem_shared>>)
      tpu.yield
    }) : () -> ()
    %dma_wait3A_49 = arith.constant 1 : i32
    %dma_wait3A_50 = arith.constant 0 : i32
    %dma_wait3A_51 = arith.constant 0 : i32
    %dma_wait3A_52 = tpu.memref_slice %arg9[%dma_wait3A_49, %dma_wait3A_50, %dma_wait3A_51] : memref<2x128x128xf32, #tpu.memory_space<vmem>> -> memref<1x128x128xf32, #tpu.memory_space<vmem>>
    %dma_wait3A_53 = tpu.memref_squeeze %dma_wait3A_52 : memref<1x128x128xf32, #tpu.memory_space<vmem>> -> memref<128x128xf32, #tpu.memory_space<vmem>>
    %dma_wait3A_54 = arith.constant 0 : i32
    %dma_wait3A_55 = arith.constant 0 : i32
    %dma_wait3A_56 = tpu.memref_slice %arg2[%dma_wait3A_54, %dma_wait3A_55] : memref<10240x128xf32, #tpu.memory_space<hbm>> -> memref<128x128xf32, #tpu.memory_space<hbm>>
    %dma_wait3A_57 = arith.constant 0 : i32
    %dma_wait3A_58 = arith.constant 0 : i32
    %dma_wait3A_59 = tpu.memref_slice %arg9[%dma_wait3A_49, %dma_wait3A_57, %dma_wait3A_58] : memref<2x128x128xf32, #tpu.memory_space<vmem>> -> memref<1x128x128xf32, #tpu.memory_space<vmem>>
    %dma_wait3A_60 = tpu.memref_squeeze %dma_wait3A_59 : memref<1x128x128xf32, #tpu.memory_space<vmem>> -> memref<128x128xf32, #tpu.memory_space<vmem>>
    %dma_wait3A_61 = arith.constant 0 : i32
    %dma_wait3A_62 = arith.constant 0 : i32
    %dma_wait3A_63 = tpu.memref_slice %arg2[%dma_wait3A_61, %dma_wait3A_62] : memref<10240x128xf32, #tpu.memory_space<hbm>> -> memref<128x128xf32, #tpu.memory_space<hbm>>
    tpu.wait_dma2 semaphore(%arg11 : memref<!tpu.dma_semaphore, #tpu.memory_space<semaphore_mem>>) src(%dma_wait3A_63 : memref<128x128xf32, #tpu.memory_space<hbm>>) dst(%dma_wait3A_60 : memref<128x128xf32, #tpu.memory_space<vmem>>)
    %mul3A_64 = arith.constant 10240 : i32
    %mul3A_65 = arith.muli %add3A, %mul3A_64 : i32
    %add3A_66 = arith.constant 10112 : i32
    %add3A_67 = arith.addi %mul3A_65, %add3A_66 : i32
    "tpu.region"() ({
      %run_scoped3A_74 = tpu.sem_alloc : memref<!tpu.dma_semaphore, #tpu.memory_space<semaphore_mem>>
      %dma_start3A_75 = tpu.memref_slice %arg4[%add3A_67] : memref<327680xi32, #tpu.memory_space<hbm>> -> memref<128xi32, #tpu.memory_space<hbm>>
      %dma_start3A_76 = tpu.memref_slice %arg4[%add3A_67] : memref<327680xi32, #tpu.memory_space<hbm>> -> memref<128xi32, #tpu.memory_space<hbm>>
      tpu.enqueue_dma source(%dma_start3A_76 : memref<128xi32, #tpu.memory_space<hbm>>) target(%arg8 : memref<128xi32, #tpu.memory_space<vmem>>) target_semaphore(%run_scoped3A_74 : memref<!tpu.dma_semaphore, #tpu.memory_space<semaphore_mem>>)
      %dma_wait3A_77 = tpu.memref_slice %arg4[%add3A_67] : memref<327680xi32, #tpu.memory_space<hbm>> -> memref<128xi32, #tpu.memory_space<hbm>>
      %dma_wait3A_78 = tpu.memref_slice %arg4[%add3A_67] : memref<327680xi32, #tpu.memory_space<hbm>> -> memref<128xi32, #tpu.memory_space<hbm>>
      tpu.wait_dma2 semaphore(%run_scoped3A_74 : memref<!tpu.dma_semaphore, #tpu.memory_space<semaphore_mem>>) src(%dma_wait3A_78 : memref<128xi32, #tpu.memory_space<hbm>>) dst(%arg8 : memref<128xi32, #tpu.memory_space<vmem>>)
      tpu.yield
    }) : () -> ()
    %run_scoped3A_68 = arith.constant 1 : i32
    "tpu.region"() ({
      %run_scoped3A_74 = tpu.sem_alloc : memref<!tpu.dma_semaphore, #tpu.memory_space<semaphore_mem>>
      %dma_start3A_75 = arith.constant 0 : i32
      %dma_start3A_76 = arith.constant 0 : i32
      %dma_start3A_77 = tpu.memref_slice %arg9[%run_scoped3A_68, %dma_start3A_75, %dma_start3A_76] : memref<2x128x128xf32, #tpu.memory_space<vmem>> -> memref<1x128x128xf32, #tpu.memory_space<vmem>>
      %dma_start3A_78 = tpu.memref_squeeze %dma_start3A_77 : memref<1x128x128xf32, #tpu.memory_space<vmem>> -> memref<128x128xf32, #tpu.memory_space<vmem>>
      %dma_start3A_79 = arith.constant 0 : i32
      %dma_start3A_80 = arith.constant 0 : i32
      %dma_start3A_81 = tpu.memref_slice %arg10[%dma_start3A_79, %dma_start3A_80] : memref<10240x128xf32, #tpu.memory_space<vmem_shared>> -> memref<10240x128xf32, #tpu.memory_space<vmem_shared>>
      tpu.enqueue_indirect_dma source(%dma_start3A_78 : memref<128x128xf32, #tpu.memory_space<vmem>>) target(%dma_start3A_81 : memref<10240x128xf32, #tpu.memory_space<vmem_shared>>) offsets(%arg8 : memref<128xi32, #tpu.memory_space<vmem>>) semaphore(%run_scoped3A_74 : memref<!tpu.dma_semaphore, #tpu.memory_space<semaphore_mem>>) {add = true}
      %dma_wait3A_82 = arith.constant 0 : i32
      %dma_wait3A_83 = arith.constant 0 : i32
      %dma_wait3A_84 = tpu.memref_slice %arg9[%run_scoped3A_68, %dma_wait3A_82, %dma_wait3A_83] : memref<2x128x128xf32, #tpu.memory_space<vmem>> -> memref<1x128x128xf32, #tpu.memory_space<vmem>>
      %dma_wait3A_85 = tpu.memref_squeeze %dma_wait3A_84 : memref<1x128x128xf32, #tpu.memory_space<vmem>> -> memref<128x128xf32, #tpu.memory_space<vmem>>
      %dma_wait3A_86 = arith.constant 0 : i32
      %dma_wait3A_87 = arith.constant 0 : i32
      %dma_wait3A_88 = tpu.memref_slice %arg10[%dma_wait3A_86, %dma_wait3A_87] : memref<10240x128xf32, #tpu.memory_space<vmem_shared>> -> memref<10240x128xf32, #tpu.memory_space<vmem_shared>>
      tpu.wait_indirect_dma semaphore(%run_scoped3A_74 : memref<!tpu.dma_semaphore, #tpu.memory_space<semaphore_mem>>) src(%dma_wait3A_85 : memref<128x128xf32, #tpu.memory_space<vmem>>) dst(%dma_wait3A_88 : memref<10240x128xf32, #tpu.memory_space<vmem_shared>>)
      tpu.yield
    }) : () -> ()
    %barrier3A_69 = arith.constant 0 : index
    tpu.barrier barrier_id(%barrier3A_69)
    %mul3A_70 = arith.constant 640 : i32
    %mul3A_71 = arith.muli %arg1, %mul3A_70 : i32
    %mul3A_72 = arith.constant 640 : i32
    %mul3A_73 = arith.muli %arg1, %mul3A_72 : i32
    "tpu.region"() ({
      %run_scoped3A_74 = tpu.sem_alloc : memref<!tpu.dma_semaphore, #tpu.memory_space<semaphore_mem>>
      %dma_start3A_75 = arith.constant 0 : i32
      %dma_start3A_76 = tpu.memref_slice %arg6[%arg0, %mul3A_73, %dma_start3A_75] : memref<2x10240x128xf32, #tpu.memory_space<hbm>> -> memref<1x640x128xf32, #tpu.memory_space<hbm>>
      %dma_start3A_77 = tpu.memref_squeeze %dma_start3A_76 : memref<1x640x128xf32, #tpu.memory_space<hbm>> -> memref<640x128xf32, #tpu.memory_space<hbm>>
      %dma_start3A_78 = arith.constant 0 : i32
      %dma_start3A_79 = tpu.memref_slice %arg10[%mul3A_71, %dma_start3A_78] : memref<10240x128xf32, #tpu.memory_space<vmem_shared>> -> memref<640x128xf32, #tpu.memory_space<vmem_shared>>
      tpu.enqueue_dma source(%dma_start3A_79 : memref<640x128xf32, #tpu.memory_space<vmem_shared>>) target(%dma_start3A_77 : memref<640x128xf32, #tpu.memory_space<hbm>>) target_semaphore(%run_scoped3A_74 : memref<!tpu.dma_semaphore, #tpu.memory_space<semaphore_mem>>)
      %dma_wait3A_80 = arith.constant 0 : i32
      %dma_wait3A_81 = tpu.memref_slice %arg6[%arg0, %mul3A_73, %dma_wait3A_80] : memref<2x10240x128xf32, #tpu.memory_space<hbm>> -> memref<1x640x128xf32, #tpu.memory_space<hbm>>
      %dma_wait3A_82 = tpu.memref_squeeze %dma_wait3A_81 : memref<1x640x128xf32, #tpu.memory_space<hbm>> -> memref<640x128xf32, #tpu.memory_space<hbm>>
      %dma_wait3A_83 = arith.constant 0 : i32
      %dma_wait3A_84 = tpu.memref_slice %arg10[%mul3A_71, %dma_wait3A_83] : memref<10240x128xf32, #tpu.memory_space<vmem_shared>> -> memref<640x128xf32, #tpu.memory_space<vmem_shared>>
      tpu.wait_dma2 semaphore(%run_scoped3A_74 : memref<!tpu.dma_semaphore, #tpu.memory_space<semaphore_mem>>) src(%dma_wait3A_84 : memref<640x128xf32, #tpu.memory_space<vmem_shared>>) dst(%dma_wait3A_82 : memref<640x128xf32, #tpu.memory_space<hbm>>)
      tpu.yield
    }) : () -> ()
    return
  }
}

#map = affine_map<(d0, d1) -> (0, 0)>
#map1 = affine_map<(d0, d1) -> (0)>
#map2 = affine_map<(d0, d1) -> (0, 0, 0)>
module attributes {stable_mosaic.version = 14 : i64} {
  func.func @_prop_body(%arg0: i32, %arg1: i32, %arg2: memref<10240x128xf32, #tpu.memory_space<hbm>>, %arg3: memref<327680xi32, #tpu.memory_space<hbm>>, %arg4: memref<327680xi32, #tpu.memory_space<hbm>>, %arg5: memref<10240x128xf32, #tpu.memory_space<hbm>>, %arg6: memref<2x10240x128xf32, #tpu.memory_space<hbm>>, %arg7: memref<10240xi32, #tpu.memory_space<vmem>>, %arg8: memref<128xi32, #tpu.memory_space<vmem>>, %arg9: memref<2x128x128xf32, #tpu.memory_space<vmem>>, %arg10: memref<10240x128xf32, #tpu.memory_space<vmem_shared>>, %arg11: memref<!tpu.dma_semaphore, #tpu.memory_space<semaphore_mem>>) attributes {dimension_semantics = [#tpu.dimension_semantics<core_parallel>, #tpu.dimension_semantics<subcore_parallel>], iteration_bounds = array<i64: 2, 16>, scalar_prefetch = 0 : i64, scratch_operands = 5 : i64, tpu.core_type = #tpu.core_type<sc_vector_subcore>, window_params = [{transform_indices = #map}, {transform_indices = #map1}, {transform_indices = #map1}, {transform_indices = #map}, {transform_indices = #map2}]} {
    %mul3A = arith.constant 16 : i32
    %mul3A_0 = arith.muli %arg0, %mul3A : i32
    %add3A = arith.addi %mul3A_0, %arg1 : i32
    %mul3A_1 = arith.constant 640 : i32
    %mul3A_2 = arith.muli %arg1, %mul3A_1 : i32
    %mul3A_3 = arith.constant 640 : i32
    %mul3A_4 = arith.muli %arg1, %mul3A_3 : i32
    "tpu.region"() ({
      %run_scoped3A_74 = tpu.sem_alloc : memref<!tpu.dma_semaphore, #tpu.memory_space<semaphore_mem>>
      %dma_start3A_75 = arith.constant 0 : i32
      %dma_start3A_76 = tpu.memref_slice %arg10[%mul3A_4, %dma_start3A_75] : memref<10240x128xf32, #tpu.memory_space<vmem_shared>> -> memref<640x128xf32, #tpu.memory_space<vmem_shared>>
      %dma_start3A_77 = arith.constant 0 : i32
      %dma_start3A_78 = tpu.memref_slice %arg5[%mul3A_2, %dma_start3A_77] : memref<10240x128xf32, #tpu.memory_space<hbm>> -> memref<640x128xf32, #tpu.memory_space<hbm>>
      tpu.enqueue_dma source(%dma_start3A_78 : memref<640x128xf32, #tpu.memory_space<hbm>>) target(%dma_start3A_76 : memref<640x128xf32, #tpu.memory_space<vmem_shared>>) target_semaphore(%run_scoped3A_74 : memref<!tpu.dma_semaphore, #tpu.memory_space<semaphore_mem>>)
      %dma_wait3A_79 = arith.constant 0 : i32
      %dma_wait3A_80 = tpu.memref_slice %arg10[%mul3A_4, %dma_wait3A_79] : memref<10240x128xf32, #tpu.memory_space<vmem_shared>> -> memref<640x128xf32, #tpu.memory_space<vmem_shared>>
      %dma_wait3A_81 = arith.constant 0 : i32
      %dma_wait3A_82 = tpu.memref_slice %arg5[%mul3A_2, %dma_wait3A_81] : memref<10240x128xf32, #tpu.memory_space<hbm>> -> memref<640x128xf32, #tpu.memory_space<hbm>>
      tpu.wait_dma2 semaphore(%run_scoped3A_74 : memref<!tpu.dma_semaphore, #tpu.memory_space<semaphore_mem>>) src(%dma_wait3A_82 : memref<640x128xf32, #tpu.memory_space<hbm>>) dst(%dma_wait3A_80 : memref<640x128xf32, #tpu.memory_space<vmem_shared>>)
      tpu.yield
    }) : () -> ()
    %mul3A_5 = arith.constant 10240 : i32
    %mul3A_6 = arith.muli %add3A, %mul3A_5 : i32
    "tpu.region"() ({
      %run_scoped3A_74 = tpu.sem_alloc : memref<!tpu.dma_semaphore, #tpu.memory_space<semaphore_mem>>
      %dma_start3A_75 = tpu.memref_slice %arg3[%mul3A_6] : memref<327680xi32, #tpu.memory_space<hbm>> -> memref<10240xi32, #tpu.memory_space<hbm>>
      %dma_start3A_76 = tpu.memref_slice %arg3[%mul3A_6] : memref<327680xi32, #tpu.memory_space<hbm>> -> memref<10240xi32, #tpu.memory_space<hbm>>
      tpu.enqueue_dma source(%dma_start3A_76 : memref<10240xi32, #tpu.memory_space<hbm>>) target(%arg7 : memref<10240xi32, #tpu.memory_space<vmem>>) target_semaphore(%run_scoped3A_74 : memref<!tpu.dma_semaphore, #tpu.memory_space<semaphore_mem>>)
      %dma_wait3A_77 = tpu.memref_slice %arg3[%mul3A_6] : memref<327680xi32, #tpu.memory_space<hbm>> -> memref<10240xi32, #tpu.memory_space<hbm>>
      %dma_wait3A_78 = tpu.memref_slice %arg3[%mul3A_6] : memref<327680xi32, #tpu.memory_space<hbm>> -> memref<10240xi32, #tpu.memory_space<hbm>>
      tpu.wait_dma2 semaphore(%run_scoped3A_74 : memref<!tpu.dma_semaphore, #tpu.memory_space<semaphore_mem>>) src(%dma_wait3A_78 : memref<10240xi32, #tpu.memory_space<hbm>>) dst(%arg7 : memref<10240xi32, #tpu.memory_space<vmem>>)
      tpu.yield
    }) : () -> ()
    %barrier3A = arith.constant 0 : index
    tpu.barrier barrier_id(%barrier3A)
    %dma_start3A = arith.constant 0 : i32
    %dma_start3A_7 = arith.constant 0 : i32
    %dma_start3A_8 = arith.constant 0 : i32
    %dma_start3A_9 = tpu.memref_slice %arg9[%dma_start3A, %dma_start3A_7, %dma_start3A_8] : memref<2x128x128xf32, #tpu.memory_space<vmem>> -> memref<1x128x128xf32, #tpu.memory_space<vmem>>
    %dma_start3A_10 = tpu.memref_squeeze %dma_start3A_9 : memref<1x128x128xf32, #tpu.memory_space<vmem>> -> memref<128x128xf32, #tpu.memory_space<vmem>>
    %dma_start3A_11 = arith.constant 0 : i32
    %dma_start3A_12 = tpu.memref_slice %arg7[%dma_start3A_11] : memref<10240xi32, #tpu.memory_space<vmem>> -> memref<128xi32, #tpu.memory_space<vmem>>
    %dma_start3A_13 = arith.constant 0 : i32
    %dma_start3A_14 = arith.constant 0 : i32
    %dma_start3A_15 = tpu.memref_slice %arg2[%dma_start3A_13, %dma_start3A_14] : memref<10240x128xf32, #tpu.memory_space<hbm>> -> memref<10240x128xf32, #tpu.memory_space<hbm>>
    tpu.enqueue_indirect_dma source(%dma_start3A_15 : memref<10240x128xf32, #tpu.memory_space<hbm>>) target(%dma_start3A_10 : memref<128x128xf32, #tpu.memory_space<vmem>>) offsets(%dma_start3A_12 : memref<128xi32, #tpu.memory_space<vmem>>) semaphore(%arg11 : memref<!tpu.dma_semaphore, #tpu.memory_space<semaphore_mem>>)
    %dma_start3A_16 = arith.constant 1 : i32
    %dma_start3A_17 = arith.constant 0 : i32
    %dma_start3A_18 = arith.constant 0 : i32
    %dma_start3A_19 = tpu.memref_slice %arg9[%dma_start3A_16, %dma_start3A_17, %dma_start3A_18] : memref<2x128x128xf32, #tpu.memory_space<vmem>> -> memref<1x128x128xf32, #tpu.memory_space<vmem>>
    %dma_start3A_20 = tpu.memref_squeeze %dma_start3A_19 : memref<1x128x128xf32, #tpu.memory_space<vmem>> -> memref<128x128xf32, #tpu.memory_space<vmem>>
    %dma_start3A_21 = arith.constant 128 : i32
    %dma_start3A_22 = tpu.memref_slice %arg7[%dma_start3A_21] : memref<10240xi32, #tpu.memory_space<vmem>> -> memref<128xi32, #tpu.memory_space<vmem>>
    %dma_start3A_23 = arith.constant 0 : i32
    %dma_start3A_24 = arith.constant 0 : i32
    %dma_start3A_25 = tpu.memref_slice %arg2[%dma_start3A_23, %dma_start3A_24] : memref<10240x128xf32, #tpu.memory_space<hbm>> -> memref<10240x128xf32, #tpu.memory_space<hbm>>
    tpu.enqueue_indirect_dma source(%dma_start3A_25 : memref<10240x128xf32, #tpu.memory_space<hbm>>) target(%dma_start3A_20 : memref<128x128xf32, #tpu.memory_space<vmem>>) offsets(%dma_start3A_22 : memref<128xi32, #tpu.memory_space<vmem>>) semaphore(%arg11 : memref<!tpu.dma_semaphore, #tpu.memory_space<semaphore_mem>>)
    %scan3A = arith.constant 0 : i32
    %scan3A_26 = arith.constant 0 : i32
    %scan3A_27 = arith.constant 39 : i32
    %scan3A_28 = arith.addi %scan3A_26, %scan3A_27 : i32
    %scan3A_29 = arith.constant 1 : i32
    scf.for %scan3A_74 = %scan3A_26 to %scan3A_28 step %scan3A_29  : i32 {
      %mul3A_75 = arith.constant 2 : i32
      %mul3A_76 = arith.muli %scan3A_74, %mul3A_75 : i32
      %add3A_77 = arith.constant 0 : i32
      %add3A_78 = arith.addi %mul3A_76, %add3A_77 : i32
      %dma_wait3A_79 = arith.constant 0 : i32
      %dma_wait3A_80 = arith.constant 0 : i32
      %dma_wait3A_81 = arith.constant 0 : i32
      %dma_wait3A_82 = tpu.memref_slice %arg9[%dma_wait3A_79, %dma_wait3A_80, %dma_wait3A_81] : memref<2x128x128xf32, #tpu.memory_space<vmem>> -> memref<1x128x128xf32, #tpu.memory_space<vmem>>
      %dma_wait3A_83 = tpu.memref_squeeze %dma_wait3A_82 : memref<1x128x128xf32, #tpu.memory_space<vmem>> -> memref<128x128xf32, #tpu.memory_space<vmem>>
      %dma_wait3A_84 = arith.constant 0 : i32
      %dma_wait3A_85 = arith.constant 0 : i32
      %dma_wait3A_86 = tpu.memref_slice %arg2[%dma_wait3A_84, %dma_wait3A_85] : memref<10240x128xf32, #tpu.memory_space<hbm>> -> memref<128x128xf32, #tpu.memory_space<hbm>>
      %dma_wait3A_87 = arith.constant 0 : i32
      %dma_wait3A_88 = arith.constant 0 : i32
      %dma_wait3A_89 = tpu.memref_slice %arg9[%dma_wait3A_79, %dma_wait3A_87, %dma_wait3A_88] : memref<2x128x128xf32, #tpu.memory_space<vmem>> -> memref<1x128x128xf32, #tpu.memory_space<vmem>>
      %dma_wait3A_90 = tpu.memref_squeeze %dma_wait3A_89 : memref<1x128x128xf32, #tpu.memory_space<vmem>> -> memref<128x128xf32, #tpu.memory_space<vmem>>
      %dma_wait3A_91 = arith.constant 0 : i32
      %dma_wait3A_92 = arith.constant 0 : i32
      %dma_wait3A_93 = tpu.memref_slice %arg2[%dma_wait3A_91, %dma_wait3A_92] : memref<10240x128xf32, #tpu.memory_space<hbm>> -> memref<128x128xf32, #tpu.memory_space<hbm>>
      tpu.wait_dma2 semaphore(%arg11 : memref<!tpu.dma_semaphore, #tpu.memory_space<semaphore_mem>>) src(%dma_wait3A_93 : memref<128x128xf32, #tpu.memory_space<hbm>>) dst(%dma_wait3A_90 : memref<128x128xf32, #tpu.memory_space<vmem>>)
      %mul3A_94 = arith.constant 10240 : i32
      %mul3A_95 = arith.muli %add3A, %mul3A_94 : i32
      %mul3A_96 = arith.constant 128 : i32
      %mul3A_97 = arith.muli %add3A_78, %mul3A_96 : i32
      %add3A_98 = arith.addi %mul3A_95, %mul3A_97 : i32
      "tpu.region"() ({
        %run_scoped3A_153 = tpu.sem_alloc : memref<!tpu.dma_semaphore, #tpu.memory_space<semaphore_mem>>
        %dma_start3A_154 = tpu.memref_slice %arg4[%add3A_98] : memref<327680xi32, #tpu.memory_space<hbm>> -> memref<128xi32, #tpu.memory_space<hbm>>
        %dma_start3A_155 = tpu.memref_slice %arg4[%add3A_98] : memref<327680xi32, #tpu.memory_space<hbm>> -> memref<128xi32, #tpu.memory_space<hbm>>
        tpu.enqueue_dma source(%dma_start3A_155 : memref<128xi32, #tpu.memory_space<hbm>>) target(%arg8 : memref<128xi32, #tpu.memory_space<vmem>>) target_semaphore(%run_scoped3A_153 : memref<!tpu.dma_semaphore, #tpu.memory_space<semaphore_mem>>)
        %dma_wait3A_156 = tpu.memref_slice %arg4[%add3A_98] : memref<327680xi32, #tpu.memory_space<hbm>> -> memref<128xi32, #tpu.memory_space<hbm>>
        %dma_wait3A_157 = tpu.memref_slice %arg4[%add3A_98] : memref<327680xi32, #tpu.memory_space<hbm>> -> memref<128xi32, #tpu.memory_space<hbm>>
        tpu.wait_dma2 semaphore(%run_scoped3A_153 : memref<!tpu.dma_semaphore, #tpu.memory_space<semaphore_mem>>) src(%dma_wait3A_157 : memref<128xi32, #tpu.memory_space<hbm>>) dst(%arg8 : memref<128xi32, #tpu.memory_space<vmem>>)
        tpu.yield
      }) : () -> ()
      %run_scoped3A_99 = arith.constant 0 : i32
      "tpu.region"() ({
        %run_scoped3A_153 = tpu.sem_alloc : memref<!tpu.dma_semaphore, #tpu.memory_space<semaphore_mem>>
        %dma_start3A_154 = arith.constant 0 : i32
        %dma_start3A_155 = arith.constant 0 : i32
        %dma_start3A_156 = tpu.memref_slice %arg9[%run_scoped3A_99, %dma_start3A_154, %dma_start3A_155] : memref<2x128x128xf32, #tpu.memory_space<vmem>> -> memref<1x128x128xf32, #tpu.memory_space<vmem>>
        %dma_start3A_157 = tpu.memref_squeeze %dma_start3A_156 : memref<1x128x128xf32, #tpu.memory_space<vmem>> -> memref<128x128xf32, #tpu.memory_space<vmem>>
        %dma_start3A_158 = arith.constant 0 : i32
        %dma_start3A_159 = arith.constant 0 : i32
        %dma_start3A_160 = tpu.memref_slice %arg10[%dma_start3A_158, %dma_start3A_159] : memref<10240x128xf32, #tpu.memory_space<vmem_shared>> -> memref<10240x128xf32, #tpu.memory_space<vmem_shared>>
        tpu.enqueue_indirect_dma source(%dma_start3A_157 : memref<128x128xf32, #tpu.memory_space<vmem>>) target(%dma_start3A_160 : memref<10240x128xf32, #tpu.memory_space<vmem_shared>>) offsets(%arg8 : memref<128xi32, #tpu.memory_space<vmem>>) semaphore(%run_scoped3A_153 : memref<!tpu.dma_semaphore, #tpu.memory_space<semaphore_mem>>) {add = true}
        %dma_wait3A_161 = arith.constant 0 : i32
        %dma_wait3A_162 = arith.constant 0 : i32
        %dma_wait3A_163 = tpu.memref_slice %arg9[%run_scoped3A_99, %dma_wait3A_161, %dma_wait3A_162] : memref<2x128x128xf32, #tpu.memory_space<vmem>> -> memref<1x128x128xf32, #tpu.memory_space<vmem>>
        %dma_wait3A_164 = tpu.memref_squeeze %dma_wait3A_163 : memref<1x128x128xf32, #tpu.memory_space<vmem>> -> memref<128x128xf32, #tpu.memory_space<vmem>>
        %dma_wait3A_165 = arith.constant 0 : i32
        %dma_wait3A_166 = arith.constant 0 : i32
        %dma_wait3A_167 = tpu.memref_slice %arg10[%dma_wait3A_165, %dma_wait3A_166] : memref<10240x128xf32, #tpu.memory_space<vmem_shared>> -> memref<10240x128xf32, #tpu.memory_space<vmem_shared>>
        tpu.wait_indirect_dma semaphore(%run_scoped3A_153 : memref<!tpu.dma_semaphore, #tpu.memory_space<semaphore_mem>>) src(%dma_wait3A_164 : memref<128x128xf32, #tpu.memory_space<vmem>>) dst(%dma_wait3A_167 : memref<10240x128xf32, #tpu.memory_space<vmem_shared>>)
        tpu.yield
      }) : () -> ()
      %add3A_100 = arith.constant 2 : i32
      %add3A_101 = arith.addi %mul3A_76, %add3A_100 : i32
      %add3A_102 = arith.constant 0 : i32
      %add3A_103 = arith.addi %add3A_101, %add3A_102 : i32
      %mul3A_104 = arith.constant 128 : i32
      %mul3A_105 = arith.muli %add3A_103, %mul3A_104 : i32
      %dma_start3A_106 = arith.constant 0 : i32
      %dma_start3A_107 = arith.constant 0 : i32
      %dma_start3A_108 = arith.constant 0 : i32
      %dma_start3A_109 = tpu.memref_slice %arg9[%dma_start3A_106, %dma_start3A_107, %dma_start3A_108] : memref<2x128x128xf32, #tpu.memory_space<vmem>> -> memref<1x128x128xf32, #tpu.memory_space<vmem>>
      %dma_start3A_110 = tpu.memref_squeeze %dma_start3A_109 : memref<1x128x128xf32, #tpu.memory_space<vmem>> -> memref<128x128xf32, #tpu.memory_space<vmem>>
      %dma_start3A_111 = tpu.memref_slice %arg7[%mul3A_105] : memref<10240xi32, #tpu.memory_space<vmem>> -> memref<128xi32, #tpu.memory_space<vmem>>
      %dma_start3A_112 = arith.constant 0 : i32
      %dma_start3A_113 = arith.constant 0 : i32
      %dma_start3A_114 = tpu.memref_slice %arg2[%dma_start3A_112, %dma_start3A_113] : memref<10240x128xf32, #tpu.memory_space<hbm>> -> memref<10240x128xf32, #tpu.memory_space<hbm>>
      tpu.enqueue_indirect_dma source(%dma_start3A_114 : memref<10240x128xf32, #tpu.memory_space<hbm>>) target(%dma_start3A_110 : memref<128x128xf32, #tpu.memory_space<vmem>>) offsets(%dma_start3A_111 : memref<128xi32, #tpu.memory_space<vmem>>) semaphore(%arg11 : memref<!tpu.dma_semaphore, #tpu.memory_space<semaphore_mem>>)
      %add3A_115 = arith.constant 1 : i32
      %add3A_116 = arith.addi %mul3A_76, %add3A_115 : i32
      %dma_wait3A_117 = arith.constant 1 : i32
      %dma_wait3A_118 = arith.constant 0 : i32
      %dma_wait3A_119 = arith.constant 0 : i32
      %dma_wait3A_120 = tpu.memref_slice %arg9[%dma_wait3A_117, %dma_wait3A_118, %dma_wait3A_119] : memref<2x128x128xf32, #tpu.memory_space<vmem>> -> memref<1x128x128xf32, #tpu.memory_space<vmem>>
      %dma_wait3A_121 = tpu.memref_squeeze %dma_wait3A_120 : memref<1x128x128xf32, #tpu.memory_space<vmem>> -> memref<128x128xf32, #tpu.memory_space<vmem>>
      %dma_wait3A_122 = arith.constant 0 : i32
      %dma_wait3A_123 = arith.constant 0 : i32
      %dma_wait3A_124 = tpu.memref_slice %arg2[%dma_wait3A_122, %dma_wait3A_123] : memref<10240x128xf32, #tpu.memory_space<hbm>> -> memref<128x128xf32, #tpu.memory_space<hbm>>
      %dma_wait3A_125 = arith.constant 0 : i32
      %dma_wait3A_126 = arith.constant 0 : i32
      %dma_wait3A_127 = tpu.memref_slice %arg9[%dma_wait3A_117, %dma_wait3A_125, %dma_wait3A_126] : memref<2x128x128xf32, #tpu.memory_space<vmem>> -> memref<1x128x128xf32, #tpu.memory_space<vmem>>
      %dma_wait3A_128 = tpu.memref_squeeze %dma_wait3A_127 : memref<1x128x128xf32, #tpu.memory_space<vmem>> -> memref<128x128xf32, #tpu.memory_space<vmem>>
      %dma_wait3A_129 = arith.constant 0 : i32
      %dma_wait3A_130 = arith.constant 0 : i32
      %dma_wait3A_131 = tpu.memref_slice %arg2[%dma_wait3A_129, %dma_wait3A_130] : memref<10240x128xf32, #tpu.memory_space<hbm>> -> memref<128x128xf32, #tpu.memory_space<hbm>>
      tpu.wait_dma2 semaphore(%arg11 : memref<!tpu.dma_semaphore, #tpu.memory_space<semaphore_mem>>) src(%dma_wait3A_131 : memref<128x128xf32, #tpu.memory_space<hbm>>) dst(%dma_wait3A_128 : memref<128x128xf32, #tpu.memory_space<vmem>>)
      %mul3A_132 = arith.constant 10240 : i32
      %mul3A_133 = arith.muli %add3A, %mul3A_132 : i32
      %mul3A_134 = arith.constant 128 : i32
      %mul3A_135 = arith.muli %add3A_116, %mul3A_134 : i32
      %add3A_136 = arith.addi %mul3A_133, %mul3A_135 : i32
      "tpu.region"() ({
        %run_scoped3A_153 = tpu.sem_alloc : memref<!tpu.dma_semaphore, #tpu.memory_space<semaphore_mem>>
        %dma_start3A_154 = tpu.memref_slice %arg4[%add3A_136] : memref<327680xi32, #tpu.memory_space<hbm>> -> memref<128xi32, #tpu.memory_space<hbm>>
        %dma_start3A_155 = tpu.memref_slice %arg4[%add3A_136] : memref<327680xi32, #tpu.memory_space<hbm>> -> memref<128xi32, #tpu.memory_space<hbm>>
        tpu.enqueue_dma source(%dma_start3A_155 : memref<128xi32, #tpu.memory_space<hbm>>) target(%arg8 : memref<128xi32, #tpu.memory_space<vmem>>) target_semaphore(%run_scoped3A_153 : memref<!tpu.dma_semaphore, #tpu.memory_space<semaphore_mem>>)
        %dma_wait3A_156 = tpu.memref_slice %arg4[%add3A_136] : memref<327680xi32, #tpu.memory_space<hbm>> -> memref<128xi32, #tpu.memory_space<hbm>>
        %dma_wait3A_157 = tpu.memref_slice %arg4[%add3A_136] : memref<327680xi32, #tpu.memory_space<hbm>> -> memref<128xi32, #tpu.memory_space<hbm>>
        tpu.wait_dma2 semaphore(%run_scoped3A_153 : memref<!tpu.dma_semaphore, #tpu.memory_space<semaphore_mem>>) src(%dma_wait3A_157 : memref<128xi32, #tpu.memory_space<hbm>>) dst(%arg8 : memref<128xi32, #tpu.memory_space<vmem>>)
        tpu.yield
      }) : () -> ()
      %run_scoped3A_137 = arith.constant 1 : i32
      "tpu.region"() ({
        %run_scoped3A_153 = tpu.sem_alloc : memref<!tpu.dma_semaphore, #tpu.memory_space<semaphore_mem>>
        %dma_start3A_154 = arith.constant 0 : i32
        %dma_start3A_155 = arith.constant 0 : i32
        %dma_start3A_156 = tpu.memref_slice %arg9[%run_scoped3A_137, %dma_start3A_154, %dma_start3A_155] : memref<2x128x128xf32, #tpu.memory_space<vmem>> -> memref<1x128x128xf32, #tpu.memory_space<vmem>>
        %dma_start3A_157 = tpu.memref_squeeze %dma_start3A_156 : memref<1x128x128xf32, #tpu.memory_space<vmem>> -> memref<128x128xf32, #tpu.memory_space<vmem>>
        %dma_start3A_158 = arith.constant 0 : i32
        %dma_start3A_159 = arith.constant 0 : i32
        %dma_start3A_160 = tpu.memref_slice %arg10[%dma_start3A_158, %dma_start3A_159] : memref<10240x128xf32, #tpu.memory_space<vmem_shared>> -> memref<10240x128xf32, #tpu.memory_space<vmem_shared>>
        tpu.enqueue_indirect_dma source(%dma_start3A_157 : memref<128x128xf32, #tpu.memory_space<vmem>>) target(%dma_start3A_160 : memref<10240x128xf32, #tpu.memory_space<vmem_shared>>) offsets(%arg8 : memref<128xi32, #tpu.memory_space<vmem>>) semaphore(%run_scoped3A_153 : memref<!tpu.dma_semaphore, #tpu.memory_space<semaphore_mem>>) {add = true}
        %dma_wait3A_161 = arith.constant 0 : i32
        %dma_wait3A_162 = arith.constant 0 : i32
        %dma_wait3A_163 = tpu.memref_slice %arg9[%run_scoped3A_137, %dma_wait3A_161, %dma_wait3A_162] : memref<2x128x128xf32, #tpu.memory_space<vmem>> -> memref<1x128x128xf32, #tpu.memory_space<vmem>>
        %dma_wait3A_164 = tpu.memref_squeeze %dma_wait3A_163 : memref<1x128x128xf32, #tpu.memory_space<vmem>> -> memref<128x128xf32, #tpu.memory_space<vmem>>
        %dma_wait3A_165 = arith.constant 0 : i32
        %dma_wait3A_166 = arith.constant 0 : i32
        %dma_wait3A_167 = tpu.memref_slice %arg10[%dma_wait3A_165, %dma_wait3A_166] : memref<10240x128xf32, #tpu.memory_space<vmem_shared>> -> memref<10240x128xf32, #tpu.memory_space<vmem_shared>>
        tpu.wait_indirect_dma semaphore(%run_scoped3A_153 : memref<!tpu.dma_semaphore, #tpu.memory_space<semaphore_mem>>) src(%dma_wait3A_164 : memref<128x128xf32, #tpu.memory_space<vmem>>) dst(%dma_wait3A_167 : memref<10240x128xf32, #tpu.memory_space<vmem_shared>>)
        tpu.yield
      }) : () -> ()
      %add3A_138 = arith.constant 2 : i32
      %add3A_139 = arith.addi %mul3A_76, %add3A_138 : i32
      %add3A_140 = arith.constant 1 : i32
      %add3A_141 = arith.addi %add3A_139, %add3A_140 : i32
      %mul3A_142 = arith.constant 128 : i32
      %mul3A_143 = arith.muli %add3A_141, %mul3A_142 : i32
      %dma_start3A_144 = arith.constant 1 : i32
      %dma_start3A_145 = arith.constant 0 : i32
      %dma_start3A_146 = arith.constant 0 : i32
      %dma_start3A_147 = tpu.memref_slice %arg9[%dma_start3A_144, %dma_start3A_145, %dma_start3A_146] : memref<2x128x128xf32, #tpu.memory_space<vmem>> -> memref<1x128x128xf32, #tpu.memory_space<vmem>>
      %dma_start3A_148 = tpu.memref_squeeze %dma_start3A_147 : memref<1x128x128xf32, #tpu.memory_space<vmem>> -> memref<128x128xf32, #tpu.memory_space<vmem>>
      %dma_start3A_149 = tpu.memref_slice %arg7[%mul3A_143] : memref<10240xi32, #tpu.memory_space<vmem>> -> memref<128xi32, #tpu.memory_space<vmem>>
      %dma_start3A_150 = arith.constant 0 : i32
      %dma_start3A_151 = arith.constant 0 : i32
      %dma_start3A_152 = tpu.memref_slice %arg2[%dma_start3A_150, %dma_start3A_151] : memref<10240x128xf32, #tpu.memory_space<hbm>> -> memref<10240x128xf32, #tpu.memory_space<hbm>>
      tpu.enqueue_indirect_dma source(%dma_start3A_152 : memref<10240x128xf32, #tpu.memory_space<hbm>>) target(%dma_start3A_148 : memref<128x128xf32, #tpu.memory_space<vmem>>) offsets(%dma_start3A_149 : memref<128xi32, #tpu.memory_space<vmem>>) semaphore(%arg11 : memref<!tpu.dma_semaphore, #tpu.memory_space<semaphore_mem>>)
    }
    %scan3A_30 = arith.constant 39 : i32
    %dma_wait3A = arith.constant 0 : i32
    %dma_wait3A_31 = arith.constant 0 : i32
    %dma_wait3A_32 = arith.constant 0 : i32
    %dma_wait3A_33 = tpu.memref_slice %arg9[%dma_wait3A, %dma_wait3A_31, %dma_wait3A_32] : memref<2x128x128xf32, #tpu.memory_space<vmem>> -> memref<1x128x128xf32, #tpu.memory_space<vmem>>
    %dma_wait3A_34 = tpu.memref_squeeze %dma_wait3A_33 : memref<1x128x128xf32, #tpu.memory_space<vmem>> -> memref<128x128xf32, #tpu.memory_space<vmem>>
    %dma_wait3A_35 = arith.constant 0 : i32
    %dma_wait3A_36 = arith.constant 0 : i32
    %dma_wait3A_37 = tpu.memref_slice %arg2[%dma_wait3A_35, %dma_wait3A_36] : memref<10240x128xf32, #tpu.memory_space<hbm>> -> memref<128x128xf32, #tpu.memory_space<hbm>>
    %dma_wait3A_38 = arith.constant 0 : i32
    %dma_wait3A_39 = arith.constant 0 : i32
    %dma_wait3A_40 = tpu.memref_slice %arg9[%dma_wait3A, %dma_wait3A_38, %dma_wait3A_39] : memref<2x128x128xf32, #tpu.memory_space<vmem>> -> memref<1x128x128xf32, #tpu.memory_space<vmem>>
    %dma_wait3A_41 = tpu.memref_squeeze %dma_wait3A_40 : memref<1x128x128xf32, #tpu.memory_space<vmem>> -> memref<128x128xf32, #tpu.memory_space<vmem>>
    %dma_wait3A_42 = arith.constant 0 : i32
    %dma_wait3A_43 = arith.constant 0 : i32
    %dma_wait3A_44 = tpu.memref_slice %arg2[%dma_wait3A_42, %dma_wait3A_43] : memref<10240x128xf32, #tpu.memory_space<hbm>> -> memref<128x128xf32, #tpu.memory_space<hbm>>
    tpu.wait_dma2 semaphore(%arg11 : memref<!tpu.dma_semaphore, #tpu.memory_space<semaphore_mem>>) src(%dma_wait3A_44 : memref<128x128xf32, #tpu.memory_space<hbm>>) dst(%dma_wait3A_41 : memref<128x128xf32, #tpu.memory_space<vmem>>)
    %mul3A_45 = arith.constant 10240 : i32
    %mul3A_46 = arith.muli %add3A, %mul3A_45 : i32
    %add3A_47 = arith.constant 9984 : i32
    %add3A_48 = arith.addi %mul3A_46, %add3A_47 : i32
    "tpu.region"() ({
      %run_scoped3A_74 = tpu.sem_alloc : memref<!tpu.dma_semaphore, #tpu.memory_space<semaphore_mem>>
      %dma_start3A_75 = tpu.memref_slice %arg4[%add3A_48] : memref<327680xi32, #tpu.memory_space<hbm>> -> memref<128xi32, #tpu.memory_space<hbm>>
      %dma_start3A_76 = tpu.memref_slice %arg4[%add3A_48] : memref<327680xi32, #tpu.memory_space<hbm>> -> memref<128xi32, #tpu.memory_space<hbm>>
      tpu.enqueue_dma source(%dma_start3A_76 : memref<128xi32, #tpu.memory_space<hbm>>) target(%arg8 : memref<128xi32, #tpu.memory_space<vmem>>) target_semaphore(%run_scoped3A_74 : memref<!tpu.dma_semaphore, #tpu.memory_space<semaphore_mem>>)
      %dma_wait3A_77 = tpu.memref_slice %arg4[%add3A_48] : memref<327680xi32, #tpu.memory_space<hbm>> -> memref<128xi32, #tpu.memory_space<hbm>>
      %dma_wait3A_78 = tpu.memref_slice %arg4[%add3A_48] : memref<327680xi32, #tpu.memory_space<hbm>> -> memref<128xi32, #tpu.memory_space<hbm>>
      tpu.wait_dma2 semaphore(%run_scoped3A_74 : memref<!tpu.dma_semaphore, #tpu.memory_space<semaphore_mem>>) src(%dma_wait3A_78 : memref<128xi32, #tpu.memory_space<hbm>>) dst(%arg8 : memref<128xi32, #tpu.memory_space<vmem>>)
      tpu.yield
    }) : () -> ()
    %run_scoped3A = arith.constant 0 : i32
    "tpu.region"() ({
      %run_scoped3A_74 = tpu.sem_alloc : memref<!tpu.dma_semaphore, #tpu.memory_space<semaphore_mem>>
      %dma_start3A_75 = arith.constant 0 : i32
      %dma_start3A_76 = arith.constant 0 : i32
      %dma_start3A_77 = tpu.memref_slice %arg9[%run_scoped3A, %dma_start3A_75, %dma_start3A_76] : memref<2x128x128xf32, #tpu.memory_space<vmem>> -> memref<1x128x128xf32, #tpu.memory_space<vmem>>
      %dma_start3A_78 = tpu.memref_squeeze %dma_start3A_77 : memref<1x128x128xf32, #tpu.memory_space<vmem>> -> memref<128x128xf32, #tpu.memory_space<vmem>>
      %dma_start3A_79 = arith.constant 0 : i32
      %dma_start3A_80 = arith.constant 0 : i32
      %dma_start3A_81 = tpu.memref_slice %arg10[%dma_start3A_79, %dma_start3A_80] : memref<10240x128xf32, #tpu.memory_space<vmem_shared>> -> memref<10240x128xf32, #tpu.memory_space<vmem_shared>>
      tpu.enqueue_indirect_dma source(%dma_start3A_78 : memref<128x128xf32, #tpu.memory_space<vmem>>) target(%dma_start3A_81 : memref<10240x128xf32, #tpu.memory_space<vmem_shared>>) offsets(%arg8 : memref<128xi32, #tpu.memory_space<vmem>>) semaphore(%run_scoped3A_74 : memref<!tpu.dma_semaphore, #tpu.memory_space<semaphore_mem>>) {add = true}
      %dma_wait3A_82 = arith.constant 0 : i32
      %dma_wait3A_83 = arith.constant 0 : i32
      %dma_wait3A_84 = tpu.memref_slice %arg9[%run_scoped3A, %dma_wait3A_82, %dma_wait3A_83] : memref<2x128x128xf32, #tpu.memory_space<vmem>> -> memref<1x128x128xf32, #tpu.memory_space<vmem>>
      %dma_wait3A_85 = tpu.memref_squeeze %dma_wait3A_84 : memref<1x128x128xf32, #tpu.memory_space<vmem>> -> memref<128x128xf32, #tpu.memory_space<vmem>>
      %dma_wait3A_86 = arith.constant 0 : i32
      %dma_wait3A_87 = arith.constant 0 : i32
      %dma_wait3A_88 = tpu.memref_slice %arg10[%dma_wait3A_86, %dma_wait3A_87] : memref<10240x128xf32, #tpu.memory_space<vmem_shared>> -> memref<10240x128xf32, #tpu.memory_space<vmem_shared>>
      tpu.wait_indirect_dma semaphore(%run_scoped3A_74 : memref<!tpu.dma_semaphore, #tpu.memory_space<semaphore_mem>>) src(%dma_wait3A_85 : memref<128x128xf32, #tpu.memory_space<vmem>>) dst(%dma_wait3A_88 : memref<10240x128xf32, #tpu.memory_space<vmem_shared>>)
      tpu.yield
    }) : () -> ()
    %dma_wait3A_49 = arith.constant 1 : i32
    %dma_wait3A_50 = arith.constant 0 : i32
    %dma_wait3A_51 = arith.constant 0 : i32
    %dma_wait3A_52 = tpu.memref_slice %arg9[%dma_wait3A_49, %dma_wait3A_50, %dma_wait3A_51] : memref<2x128x128xf32, #tpu.memory_space<vmem>> -> memref<1x128x128xf32, #tpu.memory_space<vmem>>
    %dma_wait3A_53 = tpu.memref_squeeze %dma_wait3A_52 : memref<1x128x128xf32, #tpu.memory_space<vmem>> -> memref<128x128xf32, #tpu.memory_space<vmem>>
    %dma_wait3A_54 = arith.constant 0 : i32
    %dma_wait3A_55 = arith.constant 0 : i32
    %dma_wait3A_56 = tpu.memref_slice %arg2[%dma_wait3A_54, %dma_wait3A_55] : memref<10240x128xf32, #tpu.memory_space<hbm>> -> memref<128x128xf32, #tpu.memory_space<hbm>>
    %dma_wait3A_57 = arith.constant 0 : i32
    %dma_wait3A_58 = arith.constant 0 : i32
    %dma_wait3A_59 = tpu.memref_slice %arg9[%dma_wait3A_49, %dma_wait3A_57, %dma_wait3A_58] : memref<2x128x128xf32, #tpu.memory_space<vmem>> -> memref<1x128x128xf32, #tpu.memory_space<vmem>>
    %dma_wait3A_60 = tpu.memref_squeeze %dma_wait3A_59 : memref<1x128x128xf32, #tpu.memory_space<vmem>> -> memref<128x128xf32, #tpu.memory_space<vmem>>
    %dma_wait3A_61 = arith.constant 0 : i32
    %dma_wait3A_62 = arith.constant 0 : i32
    %dma_wait3A_63 = tpu.memref_slice %arg2[%dma_wait3A_61, %dma_wait3A_62] : memref<10240x128xf32, #tpu.memory_space<hbm>> -> memref<128x128xf32, #tpu.memory_space<hbm>>
    tpu.wait_dma2 semaphore(%arg11 : memref<!tpu.dma_semaphore, #tpu.memory_space<semaphore_mem>>) src(%dma_wait3A_63 : memref<128x128xf32, #tpu.memory_space<hbm>>) dst(%dma_wait3A_60 : memref<128x128xf32, #tpu.memory_space<vmem>>)
    %mul3A_64 = arith.constant 10240 : i32
    %mul3A_65 = arith.muli %add3A, %mul3A_64 : i32
    %add3A_66 = arith.constant 10112 : i32
    %add3A_67 = arith.addi %mul3A_65, %add3A_66 : i32
    "tpu.region"() ({
      %run_scoped3A_74 = tpu.sem_alloc : memref<!tpu.dma_semaphore, #tpu.memory_space<semaphore_mem>>
      %dma_start3A_75 = tpu.memref_slice %arg4[%add3A_67] : memref<327680xi32, #tpu.memory_space<hbm>> -> memref<128xi32, #tpu.memory_space<hbm>>
      %dma_start3A_76 = tpu.memref_slice %arg4[%add3A_67] : memref<327680xi32, #tpu.memory_space<hbm>> -> memref<128xi32, #tpu.memory_space<hbm>>
      tpu.enqueue_dma source(%dma_start3A_76 : memref<128xi32, #tpu.memory_space<hbm>>) target(%arg8 : memref<128xi32, #tpu.memory_space<vmem>>) target_semaphore(%run_scoped3A_74 : memref<!tpu.dma_semaphore, #tpu.memory_space<semaphore_mem>>)
      %dma_wait3A_77 = tpu.memref_slice %arg4[%add3A_67] : memref<327680xi32, #tpu.memory_space<hbm>> -> memref<128xi32, #tpu.memory_space<hbm>>
      %dma_wait3A_78 = tpu.memref_slice %arg4[%add3A_67] : memref<327680xi32, #tpu.memory_space<hbm>> -> memref<128xi32, #tpu.memory_space<hbm>>
      tpu.wait_dma2 semaphore(%run_scoped3A_74 : memref<!tpu.dma_semaphore, #tpu.memory_space<semaphore_mem>>) src(%dma_wait3A_78 : memref<128xi32, #tpu.memory_space<hbm>>) dst(%arg8 : memref<128xi32, #tpu.memory_space<vmem>>)
      tpu.yield
    }) : () -> ()
    %run_scoped3A_68 = arith.constant 1 : i32
    "tpu.region"() ({
      %run_scoped3A_74 = tpu.sem_alloc : memref<!tpu.dma_semaphore, #tpu.memory_space<semaphore_mem>>
      %dma_start3A_75 = arith.constant 0 : i32
      %dma_start3A_76 = arith.constant 0 : i32
      %dma_start3A_77 = tpu.memref_slice %arg9[%run_scoped3A_68, %dma_start3A_75, %dma_start3A_76] : memref<2x128x128xf32, #tpu.memory_space<vmem>> -> memref<1x128x128xf32, #tpu.memory_space<vmem>>
      %dma_start3A_78 = tpu.memref_squeeze %dma_start3A_77 : memref<1x128x128xf32, #tpu.memory_space<vmem>> -> memref<128x128xf32, #tpu.memory_space<vmem>>
      %dma_start3A_79 = arith.constant 0 : i32
      %dma_start3A_80 = arith.constant 0 : i32
      %dma_start3A_81 = tpu.memref_slice %arg10[%dma_start3A_79, %dma_start3A_80] : memref<10240x128xf32, #tpu.memory_space<vmem_shared>> -> memref<10240x128xf32, #tpu.memory_space<vmem_shared>>
      tpu.enqueue_indirect_dma source(%dma_start3A_78 : memref<128x128xf32, #tpu.memory_space<vmem>>) target(%dma_start3A_81 : memref<10240x128xf32, #tpu.memory_space<vmem_shared>>) offsets(%arg8 : memref<128xi32, #tpu.memory_space<vmem>>) semaphore(%run_scoped3A_74 : memref<!tpu.dma_semaphore, #tpu.memory_space<semaphore_mem>>) {add = true}
      %dma_wait3A_82 = arith.constant 0 : i32
      %dma_wait3A_83 = arith.constant 0 : i32
      %dma_wait3A_84 = tpu.memref_slice %arg9[%run_scoped3A_68, %dma_wait3A_82, %dma_wait3A_83] : memref<2x128x128xf32, #tpu.memory_space<vmem>> -> memref<1x128x128xf32, #tpu.memory_space<vmem>>
      %dma_wait3A_85 = tpu.memref_squeeze %dma_wait3A_84 : memref<1x128x128xf32, #tpu.memory_space<vmem>> -> memref<128x128xf32, #tpu.memory_space<vmem>>
      %dma_wait3A_86 = arith.constant 0 : i32
      %dma_wait3A_87 = arith.constant 0 : i32
      %dma_wait3A_88 = tpu.memref_slice %arg10[%dma_wait3A_86, %dma_wait3A_87] : memref<10240x128xf32, #tpu.memory_space<vmem_shared>> -> memref<10240x128xf32, #tpu.memory_space<vmem_shared>>
      tpu.wait_indirect_dma semaphore(%run_scoped3A_74 : memref<!tpu.dma_semaphore, #tpu.memory_space<semaphore_mem>>) src(%dma_wait3A_85 : memref<128x128xf32, #tpu.memory_space<vmem>>) dst(%dma_wait3A_88 : memref<10240x128xf32, #tpu.memory_space<vmem_shared>>)
      tpu.yield
    }) : () -> ()
    %barrier3A_69 = arith.constant 0 : index
    tpu.barrier barrier_id(%barrier3A_69)
    %mul3A_70 = arith.constant 640 : i32
    %mul3A_71 = arith.muli %arg1, %mul3A_70 : i32
    %mul3A_72 = arith.constant 640 : i32
    %mul3A_73 = arith.muli %arg1, %mul3A_72 : i32
    "tpu.region"() ({
      %run_scoped3A_74 = tpu.sem_alloc : memref<!tpu.dma_semaphore, #tpu.memory_space<semaphore_mem>>
      %dma_start3A_75 = arith.constant 0 : i32
      %dma_start3A_76 = tpu.memref_slice %arg6[%arg0, %mul3A_73, %dma_start3A_75] : memref<2x10240x128xf32, #tpu.memory_space<hbm>> -> memref<1x640x128xf32, #tpu.memory_space<hbm>>
      %dma_start3A_77 = tpu.memref_squeeze %dma_start3A_76 : memref<1x640x128xf32, #tpu.memory_space<hbm>> -> memref<640x128xf32, #tpu.memory_space<hbm>>
      %dma_start3A_78 = arith.constant 0 : i32
      %dma_start3A_79 = tpu.memref_slice %arg10[%mul3A_71, %dma_start3A_78] : memref<10240x128xf32, #tpu.memory_space<vmem_shared>> -> memref<640x128xf32, #tpu.memory_space<vmem_shared>>
      tpu.enqueue_dma source(%dma_start3A_79 : memref<640x128xf32, #tpu.memory_space<vmem_shared>>) target(%dma_start3A_77 : memref<640x128xf32, #tpu.memory_space<hbm>>) target_semaphore(%run_scoped3A_74 : memref<!tpu.dma_semaphore, #tpu.memory_space<semaphore_mem>>)
      %dma_wait3A_80 = arith.constant 0 : i32
      %dma_wait3A_81 = tpu.memref_slice %arg6[%arg0, %mul3A_73, %dma_wait3A_80] : memref<2x10240x128xf32, #tpu.memory_space<hbm>> -> memref<1x640x128xf32, #tpu.memory_space<hbm>>
      %dma_wait3A_82 = tpu.memref_squeeze %dma_wait3A_81 : memref<1x640x128xf32, #tpu.memory_space<hbm>> -> memref<640x128xf32, #tpu.memory_space<hbm>>
      %dma_wait3A_83 = arith.constant 0 : i32
      %dma_wait3A_84 = tpu.memref_slice %arg10[%mul3A_71, %dma_wait3A_83] : memref<10240x128xf32, #tpu.memory_space<vmem_shared>> -> memref<640x128xf32, #tpu.memory_space<vmem_shared>>
      tpu.wait_dma2 semaphore(%run_scoped3A_74 : memref<!tpu.dma_semaphore, #tpu.memory_space<semaphore_mem>>) src(%dma_wait3A_84 : memref<640x128xf32, #tpu.memory_space<vmem_shared>>) dst(%dma_wait3A_82 : memref<640x128xf32, #tpu.memory_space<hbm>>)
      tpu.yield
    }) : () -> ()
    return
  }
}

module attributes {stable_mosaic.version = 14 : i64} {
  func.func @_mm_scale_body(%arg0: i32, %arg1: memref<2x1024xf32, #tpu.memory_space<vmem>>, %arg2: memref<1024x128xf32, #tpu.memory_space<vmem>>, %arg3: memref<128x128xf32, #tpu.memory_space<vmem>>, %arg4: memref<1024x128xf32, #tpu.memory_space<vmem>>) attributes {dimension_semantics = [#tpu.dimension_semantics<arbitrary>], iteration_bounds = array<i64: 10>, scalar_prefetch = 0 : i64, scratch_operands = 0 : i64, tpu.core_type = #tpu.core_type<tc>, window_params = [{transform_indices = @transform_0, window_bounds = array<i64: 2, 1024>}, {transform_indices = @transform_1, window_bounds = array<i64: 1024, 128>}, {pipeline_mode = #tpu.pipeline_mode<synchronous>, transform_indices = @transform_2, window_bounds = array<i64: 128, 128>}, {transform_indices = @transform_3, window_bounds = array<i64: 1024, 128>}]} {
    %get3A = arith.constant 0 : index
    %get3A_0 = arith.constant 0 : index
    %get3A_1 = vector.load %arg1[%get3A, %get3A_0] : memref<2x1024xf32, #tpu.memory_space<vmem>>, vector<1x1024xf32>
    %get3A_2 = vector.shape_cast %get3A_1 : vector<1x1024xf32> to vector<1024xf32>
    %add3A = arith.constant 1.000000e+00 : f32
    %add3A_3 = vector.broadcast %add3A : f32 to vector<1024xf32>
    %add3A_4 = arith.addf %add3A_3, %get3A_2 : vector<1024xf32>
    %get3A_5 = arith.constant 1 : index
    %get3A_6 = arith.constant 0 : index
    %get3A_7 = vector.load %arg1[%get3A_5, %get3A_6] : memref<2x1024xf32, #tpu.memory_space<vmem>>, vector<1x1024xf32>
    %get3A_8 = vector.shape_cast %get3A_7 : vector<1x1024xf32> to vector<1024xf32>
    %add3A_9 = arith.addf %add3A_4, %get3A_8 : vector<1024xf32>
    %rsqrt3A = math.rsqrt %add3A_9 : vector<1024xf32>
    %get3A_10 = arith.constant 0 : index
    %get3A_11 = arith.constant 0 : index
    %get3A_12 = vector.load %arg2[%get3A_10, %get3A_11] : memref<1024x128xf32, #tpu.memory_space<vmem>>, vector<1024x128xf32>
    %get3A_13 = arith.constant 0 : index
    %get3A_14 = arith.constant 0 : index
    %get3A_15 = vector.load %arg3[%get3A_13, %get3A_14] : memref<128x128xf32, #tpu.memory_space<vmem>>, vector<128x128xf32>
    %dot_general3A = arith.constant dense<0.000000e+00> : vector<1024x128xf32>
    %dot_general3A_16 = tpu.matmul %get3A_12, %get3A_15, %dot_general3A {dimension_numbers = #tpu.dot_dimension_numbers<[1], [0], [0], [1], [0, 0, 1, 1], [], []>, transpose_lhs_hint = false} : vector<1024x128xf32>, vector<128x128xf32>, vector<1024x128xf32> -> vector<1024x128xf32>
    %broadcast_in_dim3A = vector.shape_cast %rsqrt3A : vector<1024xf32> to vector<1024x1xf32>
    %mul3A = vector.broadcast %broadcast_in_dim3A : vector<1024x1xf32> to vector<1024x128xf32>
    %mul3A_17 = arith.mulf %dot_general3A_16, %mul3A : vector<1024x128xf32>
    %swap3A = arith.constant 0 : index
    %swap3A_18 = arith.constant 0 : index
    %swap3A_19 = vector.load %arg4[%swap3A, %swap3A_18] : memref<1024x128xf32, #tpu.memory_space<vmem>>, vector<1024x128xf32>
    tpu.vector_store %arg4[%swap3A, %swap3A_18], %mul3A_17 {strides = array<i32>} : memref<1024x128xf32, #tpu.memory_space<vmem>>, vector<1024x128xf32>,
    return
  }
  func.func @transform_0(%arg0: i32) -> (i32, i32) {
    %c0_i32 = arith.constant 0 : i32
    %c0_i32_0 = arith.constant 0 : i32
    return %c0_i32, %arg0 : i32, i32
  }
  func.func @transform_1(%arg0: i32) -> (i32, i32) {
    %c0_i32 = arith.constant 0 : i32
    %c0_i32_0 = arith.constant 0 : i32
    return %arg0, %c0_i32 : i32, i32
  }
  func.func @transform_2(%arg0: i32) -> (i32, i32) {
    %c0_i32 = arith.constant 0 : i32
    %c0_i32_0 = arith.constant 0 : i32
    %c0_i32_1 = arith.constant 0 : i32
    return %c0_i32, %c0_i32_0 : i32, i32
  }
  func.func @transform_3(%arg0: i32) -> (i32, i32) {
    %c0_i32 = arith.constant 0 : i32
    %c0_i32_0 = arith.constant 0 : i32
    return %arg0, %c0_i32 : i32, i32
  }
}

module attributes {stable_mosaic.version = 14 : i64} {
  func.func @_layer_mid_body(%arg0: i32, %arg1: memref<2x1024xf32, #tpu.memory_space<vmem>>, %arg2: memref<2x1024x128xf32, #tpu.memory_space<vmem>>, %arg3: memref<1024x128xf32, #tpu.memory_space<vmem>>, %arg4: memref<1x128xf32, #tpu.memory_space<vmem>>, %arg5: memref<128x128xf32, #tpu.memory_space<vmem>>, %arg6: memref<1024x128xf32, #tpu.memory_space<vmem>>) attributes {dimension_semantics = [#tpu.dimension_semantics<arbitrary>], iteration_bounds = array<i64: 10>, scalar_prefetch = 0 : i64, scratch_operands = 0 : i64, tpu.core_type = #tpu.core_type<tc>, window_params = [{transform_indices = @transform_0, window_bounds = array<i64: 2, 1024>}, {transform_indices = @transform_1, window_bounds = array<i64: 2, 1024, 128>}, {transform_indices = @transform_2, window_bounds = array<i64: 1024, 128>}, {pipeline_mode = #tpu.pipeline_mode<synchronous>, transform_indices = @transform_3, window_bounds = array<i64: 1, 128>}, {pipeline_mode = #tpu.pipeline_mode<synchronous>, transform_indices = @transform_4, window_bounds = array<i64: 128, 128>}, {transform_indices = @transform_5, window_bounds = array<i64: 1024, 128>}]} {
    %get3A = arith.constant 0 : index
    %get3A_0 = arith.constant 0 : index
    %get3A_1 = vector.load %arg1[%get3A, %get3A_0] : memref<2x1024xf32, #tpu.memory_space<vmem>>, vector<1x1024xf32>
    %get3A_2 = vector.shape_cast %get3A_1 : vector<1x1024xf32> to vector<1024xf32>
    %add3A = arith.constant 1.000000e+00 : f32
    %add3A_3 = vector.broadcast %add3A : f32 to vector<1024xf32>
    %add3A_4 = arith.addf %add3A_3, %get3A_2 : vector<1024xf32>
    %get3A_5 = arith.constant 1 : index
    %get3A_6 = arith.constant 0 : index
    %get3A_7 = vector.load %arg1[%get3A_5, %get3A_6] : memref<2x1024xf32, #tpu.memory_space<vmem>>, vector<1x1024xf32>
    %get3A_8 = vector.shape_cast %get3A_7 : vector<1x1024xf32> to vector<1024xf32>
    %add3A_9 = arith.addf %add3A_4, %get3A_8 : vector<1024xf32>
    %rsqrt3A = math.rsqrt %add3A_9 : vector<1024xf32>
    %get3A_10 = arith.constant 0 : index
    %get3A_11 = arith.constant 0 : index
    %get3A_12 = arith.constant 0 : index
    %get3A_13 = vector.load %arg2[%get3A_10, %get3A_11, %get3A_12] : memref<2x1024x128xf32, #tpu.memory_space<vmem>>, vector<1x1024x128xf32>
    %get3A_14 = vector.shape_cast %get3A_13 : vector<1x1024x128xf32> to vector<1024x128xf32>
    %get3A_15 = arith.constant 1 : index
    %get3A_16 = arith.constant 0 : index
    %get3A_17 = arith.constant 0 : index
    %get3A_18 = vector.load %arg2[%get3A_15, %get3A_16, %get3A_17] : memref<2x1024x128xf32, #tpu.memory_space<vmem>>, vector<1x1024x128xf32>
    %get3A_19 = vector.shape_cast %get3A_18 : vector<1x1024x128xf32> to vector<1024x128xf32>
    %add3A_20 = arith.addf %get3A_14, %get3A_19 : vector<1024x128xf32>
    %get3A_21 = arith.constant 0 : index
    %get3A_22 = arith.constant 0 : index
    %get3A_23 = vector.load %arg3[%get3A_21, %get3A_22] : memref<1024x128xf32, #tpu.memory_space<vmem>>, vector<1024x128xf32>
    %add3A_24 = arith.addf %add3A_20, %get3A_23 : vector<1024x128xf32>
    %broadcast_in_dim3A = vector.shape_cast %rsqrt3A : vector<1024xf32> to vector<1024x1xf32>
    %mul3A = vector.broadcast %broadcast_in_dim3A : vector<1024x1xf32> to vector<1024x128xf32>
    %mul3A_25 = arith.mulf %add3A_24, %mul3A : vector<1024x128xf32>
    %get3A_26 = arith.constant 0 : index
    %get3A_27 = arith.constant 0 : index
    %get3A_28 = vector.load %arg4[%get3A_26, %get3A_27] : memref<1x128xf32, #tpu.memory_space<vmem>>, vector<1x128xf32>
    %add3A_29 = vector.broadcast %get3A_28 : vector<1x128xf32> to vector<1024x128xf32>
    %add3A_30 = arith.addf %mul3A_25, %add3A_29 : vector<1024x128xf32>
    %max3A = arith.constant 0.000000e+00 : f32
    %max3A_31 = vector.broadcast %max3A : f32 to vector<1024x128xf32>
    %max3A_32 = arith.maximumf %add3A_30, %max3A_31 : vector<1024x128xf32>
    %get3A_33 = arith.constant 0 : index
    %get3A_34 = arith.constant 0 : index
    %get3A_35 = vector.load %arg5[%get3A_33, %get3A_34] : memref<128x128xf32, #tpu.memory_space<vmem>>, vector<128x128xf32>
    %dot_general3A = arith.constant dense<0.000000e+00> : vector<1024x128xf32>
    %dot_general3A_36 = tpu.matmul %max3A_32, %get3A_35, %dot_general3A {dimension_numbers = #tpu.dot_dimension_numbers<[1], [0], [0], [1], [0, 0, 1, 1], [], []>, transpose_lhs_hint = false} : vector<1024x128xf32>, vector<128x128xf32>, vector<1024x128xf32> -> vector<1024x128xf32>
    %broadcast_in_dim3A_37 = vector.shape_cast %rsqrt3A : vector<1024xf32> to vector<1024x1xf32>
    %mul3A_38 = vector.broadcast %broadcast_in_dim3A_37 : vector<1024x1xf32> to vector<1024x128xf32>
    %mul3A_39 = arith.mulf %dot_general3A_36, %mul3A_38 : vector<1024x128xf32>
    %swap3A = arith.constant 0 : index
    %swap3A_40 = arith.constant 0 : index
    %swap3A_41 = vector.load %arg6[%swap3A, %swap3A_40] : memref<1024x128xf32, #tpu.memory_space<vmem>>, vector<1024x128xf32>
    tpu.vector_store %arg6[%swap3A, %swap3A_40], %mul3A_39 {strides = array<i32>} : memref<1024x128xf32, #tpu.memory_space<vmem>>, vector<1024x128xf32>,
    return
  }
  func.func @transform_0(%arg0: i32) -> (i32, i32) {
    %c0_i32 = arith.constant 0 : i32
    %c0_i32_0 = arith.constant 0 : i32
    return %c0_i32, %arg0 : i32, i32
  }
  func.func @transform_1(%arg0: i32) -> (i32, i32, i32) {
    %c0_i32 = arith.constant 0 : i32
    %c0_i32_0 = arith.constant 0 : i32
    %c0_i32_1 = arith.constant 0 : i32
    return %c0_i32, %arg0, %c0_i32_0 : i32, i32, i32
  }
  func.func @transform_2(%arg0: i32) -> (i32, i32) {
    %c0_i32 = arith.constant 0 : i32
    %c0_i32_0 = arith.constant 0 : i32
    return %arg0, %c0_i32 : i32, i32
  }
  func.func @transform_3(%arg0: i32) -> (i32, i32) {
    %c0_i32 = arith.constant 0 : i32
    %c0_i32_0 = arith.constant 0 : i32
    %c0_i32_1 = arith.constant 0 : i32
    return %c0_i32, %c0_i32_0 : i32, i32
  }
  func.func @transform_4(%arg0: i32) -> (i32, i32) {
    %c0_i32 = arith.constant 0 : i32
    %c0_i32_0 = arith.constant 0 : i32
    %c0_i32_1 = arith.constant 0 : i32
    return %c0_i32, %c0_i32_0 : i32, i32
  }
  func.func @transform_5(%arg0: i32) -> (i32, i32) {
    %c0_i32 = arith.constant 0 : i32
    %c0_i32_0 = arith.constant 0 : i32
    return %arg0, %c0_i32 : i32, i32
  }
}

module attributes {stable_mosaic.version = 14 : i64} {
  func.func @_final_body(%arg0: i32, %arg1: memref<2x1024xf32, #tpu.memory_space<vmem>>, %arg2: memref<2x1024x128xf32, #tpu.memory_space<vmem>>, %arg3: memref<1024x128xf32, #tpu.memory_space<vmem>>, %arg4: memref<1x128xf32, #tpu.memory_space<vmem>>, %arg5: memref<1x1024xi32, #tpu.memory_space<vmem>>, %arg6: memref<128x256xf32, #tpu.memory_space<vmem>>, %arg7: memref<1x256xf32, #tpu.memory_space<vmem>>, %arg8: memref<256x128xf32, #tpu.memory_space<vmem>>, %arg9: memref<1x128xf32, #tpu.memory_space<vmem>>, %arg10: memref<64x128xf32, #tpu.memory_space<vmem>>, %arg11: memref<64x128xf32, #tpu.memory_space<vmem>>, %arg12: memref<1x64xf32, #tpu.memory_space<vmem>>) attributes {dimension_semantics = [#tpu.dimension_semantics<arbitrary>], iteration_bounds = array<i64: 10>, scalar_prefetch = 0 : i64, scratch_operands = 2 : i64, tpu.core_type = #tpu.core_type<tc>, window_params = [{transform_indices = @transform_0, window_bounds = array<i64: 2, 1024>}, {transform_indices = @transform_1, window_bounds = array<i64: 2, 1024, 128>}, {transform_indices = @transform_2, window_bounds = array<i64: 1024, 128>}, {pipeline_mode = #tpu.pipeline_mode<synchronous>, transform_indices = @transform_3, window_bounds = array<i64: 1, 128>}, {transform_indices = @transform_4, window_bounds = array<i64: 1, 1024>}, {pipeline_mode = #tpu.pipeline_mode<synchronous>, transform_indices = @transform_5, window_bounds = array<i64: 128, 256>}, {pipeline_mode = #tpu.pipeline_mode<synchronous>, transform_indices = @transform_6, window_bounds = array<i64: 1, 256>}, {pipeline_mode = #tpu.pipeline_mode<synchronous>, transform_indices = @transform_7, window_bounds = array<i64: 256, 128>}, {pipeline_mode = #tpu.pipeline_mode<synchronous>, transform_indices = @transform_8, window_bounds = array<i64: 1, 128>}, {pipeline_mode = #tpu.pipeline_mode<synchronous>, transform_indices = @transform_9, window_bounds = array<i64: 64, 128>}]} {
    %get3A = arith.constant 0 : index
    %get3A_0 = arith.constant 0 : index
    %get3A_1 = vector.load %arg1[%get3A, %get3A_0] : memref<2x1024xf32, #tpu.memory_space<vmem>>, vector<1x1024xf32>
    %get3A_2 = vector.shape_cast %get3A_1 : vector<1x1024xf32> to vector<1024xf32>
    %add3A = arith.constant 1.000000e+00 : f32
    %add3A_3 = vector.broadcast %add3A : f32 to vector<1024xf32>
    %add3A_4 = arith.addf %add3A_3, %get3A_2 : vector<1024xf32>
    %get3A_5 = arith.constant 1 : index
    %get3A_6 = arith.constant 0 : index
    %get3A_7 = vector.load %arg1[%get3A_5, %get3A_6] : memref<2x1024xf32, #tpu.memory_space<vmem>>, vector<1x1024xf32>
    %get3A_8 = vector.shape_cast %get3A_7 : vector<1x1024xf32> to vector<1024xf32>
    %add3A_9 = arith.addf %add3A_4, %get3A_8 : vector<1024xf32>
    %rsqrt3A = math.rsqrt %add3A_9 : vector<1024xf32>
    %get3A_10 = arith.constant 0 : index
    %get3A_11 = arith.constant 0 : index
    %get3A_12 = arith.constant 0 : index
    %get3A_13 = vector.load %arg2[%get3A_10, %get3A_11, %get3A_12] : memref<2x1024x128xf32, #tpu.memory_space<vmem>>, vector<1x1024x128xf32>
    %get3A_14 = vector.shape_cast %get3A_13 : vector<1x1024x128xf32> to vector<1024x128xf32>
    %get3A_15 = arith.constant 1 : index
    %get3A_16 = arith.constant 0 : index
    %get3A_17 = arith.constant 0 : index
    %get3A_18 = vector.load %arg2[%get3A_15, %get3A_16, %get3A_17] : memref<2x1024x128xf32, #tpu.memory_space<vmem>>, vector<1x1024x128xf32>
    %get3A_19 = vector.shape_cast %get3A_18 : vector<1x1024x128xf32> to vector<1024x128xf32>
    %add3A_20 = arith.addf %get3A_14, %get3A_19 : vector<1024x128xf32>
    %get3A_21 = arith.constant 0 : index
    %get3A_22 = arith.constant 0 : index
    %get3A_23 = vector.load %arg3[%get3A_21, %get3A_22] : memref<1024x128xf32, #tpu.memory_space<vmem>>, vector<1024x128xf32>
    %add3A_24 = arith.addf %add3A_20, %get3A_23 : vector<1024x128xf32>
    %broadcast_in_dim3A = vector.shape_cast %rsqrt3A : vector<1024xf32> to vector<1024x1xf32>
    %mul3A = vector.broadcast %broadcast_in_dim3A : vector<1024x1xf32> to vector<1024x128xf32>
    %mul3A_25 = arith.mulf %add3A_24, %mul3A : vector<1024x128xf32>
    %get3A_26 = arith.constant 0 : index
    %get3A_27 = arith.constant 0 : index
    %get3A_28 = vector.load %arg4[%get3A_26, %get3A_27] : memref<1x128xf32, #tpu.memory_space<vmem>>, vector<1x128xf32>
    %add3A_29 = vector.broadcast %get3A_28 : vector<1x128xf32> to vector<1024x128xf32>
    %add3A_30 = arith.addf %mul3A_25, %add3A_29 : vector<1024x128xf32>
    %max3A = arith.constant 0.000000e+00 : f32
    %max3A_31 = vector.broadcast %max3A : f32 to vector<1024x128xf32>
    %max3A_32 = arith.maximumf %add3A_30, %max3A_31 : vector<1024x128xf32>
    %get3A_33 = arith.constant 0 : index
    %get3A_34 = arith.constant 0 : index
    %get3A_35 = vector.load %arg5[%get3A_33, %get3A_34] : memref<1x1024xi32, #tpu.memory_space<vmem>>, vector<1x1024xi32>
    %get3A_36 = vector.shape_cast %get3A_35 : vector<1x1024xi32> to vector<1024xi32>
    %broadcast_in_dim3A_37 = vector.shape_cast %get3A_36 : vector<1024xi32> to vector<1024x1xi32>
    %iota3A = tpu.iota {dimensions = array<i32: 1>} : vector<1024x64xi32>
    %eq3A = vector.broadcast %broadcast_in_dim3A_37 : vector<1024x1xi32> to vector<1024x64xi32>
    %eq3A_38 = arith.cmpi eq, %eq3A, %iota3A : vector<1024x64xi32>
    %convert_element_type3A = arith.extui %eq3A_38 : vector<1024x64xi1> to vector<1024x64xi32>
    %convert_element_type3A_39 = arith.sitofp %convert_element_type3A : vector<1024x64xi32> to vector<1024x64xf32>
    %eq3A_40 = arith.constant 0 : i32
    %eq3A_41 = arith.cmpi eq, %arg0, %eq3A_40 : i32
    %convert_element_type3A_42 = arith.extui %eq3A_41 : i1 to i32
    %cond3A = arith.constant 0 : i32
    %cond3A_43 = arith.cmpi ne, %convert_element_type3A_42, %cond3A : i32
    scf.if %cond3A_43 {
      %broadcast_in_dim3A_65 = arith.constant 0.000000e+00 : f32
      %broadcast_in_dim3A_66 = vector.broadcast %broadcast_in_dim3A_65 : f32 to vector<64x128xf32>
      %swap3A_67 = arith.constant 0 : index
      %swap3A_68 = arith.constant 0 : index
      %swap3A_69 = vector.load %arg11[%swap3A_67, %swap3A_68] : memref<64x128xf32, #tpu.memory_space<vmem>>, vector<64x128xf32>
      tpu.vector_store %arg11[%swap3A_67, %swap3A_68], %broadcast_in_dim3A_66 {strides = array<i32>} : memref<64x128xf32, #tpu.memory_space<vmem>>, vector<64x128xf32>,
      %broadcast_in_dim3A_70 = arith.constant 0.000000e+00 : f32
      %broadcast_in_dim3A_71 = vector.broadcast %broadcast_in_dim3A_70 : f32 to vector<1x64xf32>
      %swap3A_72 = arith.constant 0 : index
      %swap3A_73 = arith.constant 0 : index
      %swap3A_74 = vector.load %arg12[%swap3A_72, %swap3A_73] : memref<1x64xf32, #tpu.memory_space<vmem>>, vector<1x64xf32>
      tpu.vector_store %arg12[%swap3A_72, %swap3A_73], %broadcast_in_dim3A_71 {strides = array<i32>} : memref<1x64xf32, #tpu.memory_space<vmem>>, vector<1x64xf32>,
    } else {
    }
    %get3A_44 = arith.constant 0 : index
    %get3A_45 = arith.constant 0 : index
    %get3A_46 = vector.load %arg11[%get3A_44, %get3A_45] : memref<64x128xf32, #tpu.memory_space<vmem>>, vector<64x128xf32>
    %dot_general3A = arith.constant dense<0.000000e+00> : vector<64x128xf32>
    %dot_general3A_47 = tpu.matmul %convert_element_type3A_39, %max3A_32, %dot_general3A {dimension_numbers = #tpu.dot_dimension_numbers<[0], [0], [1], [1], [0, 1, 1, 1], [], []>, transpose_lhs_hint = false} : vector<1024x64xf32>, vector<1024x128xf32>, vector<64x128xf32> -> vector<64x128xf32>
    %add3A_48 = arith.addf %get3A_46, %dot_general3A_47 : vector<64x128xf32>
    %swap3A = arith.constant 0 : index
    %swap3A_49 = arith.constant 0 : index
    %swap3A_50 = vector.load %arg11[%swap3A, %swap3A_49] : memref<64x128xf32, #tpu.memory_space<vmem>>, vector<64x128xf32>
    tpu.vector_store %arg11[%swap3A, %swap3A_49], %add3A_48 {strides = array<i32>} : memref<64x128xf32, #tpu.memory_space<vmem>>, vector<64x128xf32>,
    %get3A_51 = arith.constant 0 : index
    %get3A_52 = arith.constant 0 : index
    %get3A_53 = vector.load %arg12[%get3A_51, %get3A_52] : memref<1x64xf32, #tpu.memory_space<vmem>>, vector<1x64xf32>
    %reduce_sum3A = arith.constant dense<0.000000e+00> : vector<64xf32>
    %reduce_sum3A_54 = vector.multi_reduction <add>, %convert_element_type3A_39, %reduce_sum3A [0] : vector<1024x64xf32> to vector<64xf32>
    %broadcast_in_dim3A_55 = vector.shape_cast %reduce_sum3A_54 : vector<64xf32> to vector<1x64xf32>
    %add3A_56 = arith.addf %get3A_53, %broadcast_in_dim3A_55 : vector<1x64xf32>
    %swap3A_57 = arith.constant 0 : index
    %swap3A_58 = arith.constant 0 : index
    %swap3A_59 = vector.load %arg12[%swap3A_57, %swap3A_58] : memref<1x64xf32, #tpu.memory_space<vmem>>, vector<1x64xf32>
    tpu.vector_store %arg12[%swap3A_57, %swap3A_58], %add3A_56 {strides = array<i32>} : memref<1x64xf32, #tpu.memory_space<vmem>>, vector<1x64xf32>,
    %eq3A_60 = arith.constant 9 : i32
    %eq3A_61 = arith.cmpi eq, %arg0, %eq3A_60 : i32
    %convert_element_type3A_62 = arith.extui %eq3A_61 : i1 to i32
    %cond3A_63 = arith.constant 0 : i32
    %cond3A_64 = arith.cmpi ne, %convert_element_type3A_62, %cond3A_63 : i32
    scf.if %cond3A_64 {
      %get3A_65 = arith.constant 0 : index
      %get3A_66 = arith.constant 0 : index
      %get3A_67 = vector.load %arg12[%get3A_65, %get3A_66] : memref<1x64xf32, #tpu.memory_space<vmem>>, vector<1x64xf32>
      %get3A_68 = vector.shape_cast %get3A_67 : vector<1x64xf32> to vector<64xf32>
      %max3A_69 = arith.constant 1.000000e+00 : f32
      %max3A_70 = vector.broadcast %max3A_69 : f32 to vector<64xf32>
      %max3A_71 = arith.maximumf %get3A_68, %max3A_70 : vector<64xf32>
      %get3A_72 = arith.constant 0 : index
      %get3A_73 = arith.constant 0 : index
      %get3A_74 = vector.load %arg11[%get3A_72, %get3A_73] : memref<64x128xf32, #tpu.memory_space<vmem>>, vector<64x128xf32>
      %broadcast_in_dim3A_75 = vector.shape_cast %max3A_71 : vector<64xf32> to vector<64x1xf32>
      %div3A = vector.broadcast %broadcast_in_dim3A_75 : vector<64x1xf32> to vector<64x128xf32>
      %div3A_76 = arith.divf %get3A_74, %div3A : vector<64x128xf32>
      %get3A_77 = arith.constant 0 : index
      %get3A_78 = arith.constant 0 : index
      %get3A_79 = vector.load %arg6[%get3A_77, %get3A_78] : memref<128x256xf32, #tpu.memory_space<vmem>>, vector<128x256xf32>
      %dot_general3A_80 = arith.constant dense<0.000000e+00> : vector<64x256xf32>
      %dot_general3A_81 = tpu.matmul %div3A_76, %get3A_79, %dot_general3A_80 {dimension_numbers = #tpu.dot_dimension_numbers<[1], [0], [0], [1], [0, 0, 1, 1], [], []>, transpose_lhs_hint = false} : vector<64x128xf32>, vector<128x256xf32>, vector<64x256xf32> -> vector<64x256xf32>
      %get3A_82 = arith.constant 0 : index
      %get3A_83 = arith.constant 0 : index
      %get3A_84 = vector.load %arg7[%get3A_82, %get3A_83] : memref<1x256xf32, #tpu.memory_space<vmem>>, vector<1x256xf32>
      %add3A_85 = vector.broadcast %get3A_84 : vector<1x256xf32> to vector<64x256xf32>
      %add3A_86 = arith.addf %dot_general3A_81, %add3A_85 : vector<64x256xf32>
      %max3A_87 = arith.constant 0.000000e+00 : f32
      %max3A_88 = vector.broadcast %max3A_87 : f32 to vector<64x256xf32>
      %max3A_89 = arith.maximumf %add3A_86, %max3A_88 : vector<64x256xf32>
      %get3A_90 = arith.constant 0 : index
      %get3A_91 = arith.constant 0 : index
      %get3A_92 = vector.load %arg8[%get3A_90, %get3A_91] : memref<256x128xf32, #tpu.memory_space<vmem>>, vector<256x128xf32>
      %dot_general3A_93 = arith.constant dense<0.000000e+00> : vector<64x128xf32>
      %dot_general3A_94 = tpu.matmul %max3A_89, %get3A_92, %dot_general3A_93 {dimension_numbers = #tpu.dot_dimension_numbers<[1], [0], [0], [1], [0, 0, 1, 1], [], []>, transpose_lhs_hint = false} : vector<64x256xf32>, vector<256x128xf32>, vector<64x128xf32> -> vector<64x128xf32>
      %get3A_95 = arith.constant 0 : index
      %get3A_96 = arith.constant 0 : index
      %get3A_97 = vector.load %arg9[%get3A_95, %get3A_96] : memref<1x128xf32, #tpu.memory_space<vmem>>, vector<1x128xf32>
      %add3A_98 = vector.broadcast %get3A_97 : vector<1x128xf32> to vector<64x128xf32>
      %add3A_99 = arith.addf %dot_general3A_94, %add3A_98 : vector<64x128xf32>
      %swap3A_100 = arith.constant 0 : index
      %swap3A_101 = arith.constant 0 : index
      %swap3A_102 = vector.load %arg10[%swap3A_100, %swap3A_101] : memref<64x128xf32, #tpu.memory_space<vmem>>, vector<64x128xf32>
      tpu.vector_store %arg10[%swap3A_100, %swap3A_101], %add3A_99 {strides = array<i32>} : memref<64x128xf32, #tpu.memory_space<vmem>>, vector<64x128xf32>,
    } else {
    }
    return
  }
  func.func @transform_0(%arg0: i32) -> (i32, i32) {
    %c0_i32 = arith.constant 0 : i32
    %c0_i32_0 = arith.constant 0 : i32
    return %c0_i32, %arg0 : i32, i32
  }
  func.func @transform_1(%arg0: i32) -> (i32, i32, i32) {
    %c0_i32 = arith.constant 0 : i32
    %c0_i32_0 = arith.constant 0 : i32
    %c0_i32_1 = arith.constant 0 : i32
    return %c0_i32, %arg0, %c0_i32_0 : i32, i32, i32
  }
  func.func @transform_2(%arg0: i32) -> (i32, i32) {
    %c0_i32 = arith.constant 0 : i32
    %c0_i32_0 = arith.constant 0 : i32
    return %arg0, %c0_i32 : i32, i32
  }
  func.func @transform_3(%arg0: i32) -> (i32, i32) {
    %c0_i32 = arith.constant 0 : i32
    %c0_i32_0 = arith.constant 0 : i32
    %c0_i32_1 = arith.constant 0 : i32
    return %c0_i32, %c0_i32_0 : i32, i32
  }
  func.func @transform_4(%arg0: i32) -> (i32, i32) {
    %c0_i32 = arith.constant 0 : i32
    %c0_i32_0 = arith.constant 0 : i32
    return %c0_i32, %arg0 : i32, i32
  }
  func.func @transform_5(%arg0: i32) -> (i32, i32) {
    %c0_i32 = arith.constant 0 : i32
    %c0_i32_0 = arith.constant 0 : i32
    %c0_i32_1 = arith.constant 0 : i32
    return %c0_i32, %c0_i32_0 : i32, i32
  }
  func.func @transform_6(%arg0: i32) -> (i32, i32) {
    %c0_i32 = arith.constant 0 : i32
    %c0_i32_0 = arith.constant 0 : i32
    %c0_i32_1 = arith.constant 0 : i32
    return %c0_i32, %c0_i32_0 : i32, i32
  }
  func.func @transform_7(%arg0: i32) -> (i32, i32) {
    %c0_i32 = arith.constant 0 : i32
    %c0_i32_0 = arith.constant 0 : i32
    %c0_i32_1 = arith.constant 0 : i32
    return %c0_i32, %c0_i32_0 : i32, i32
  }
  func.func @transform_8(%arg0: i32) -> (i32, i32) {
    %c0_i32 = arith.constant 0 : i32
    %c0_i32_0 = arith.constant 0 : i32
    %c0_i32_1 = arith.constant 0 : i32
    return %c0_i32, %c0_i32_0 : i32, i32
  }
  func.func @transform_9(%arg0: i32) -> (i32, i32) {
    %c0_i32 = arith.constant 0 : i32
    %c0_i32_0 = arith.constant 0 : i32
    %c0_i32_1 = arith.constant 0 : i32
    return %c0_i32, %c0_i32_0 : i32, i32
  }
}

</mosaic_0001>

<sc_bundles>
// kernel: kernel.11.cloned.1.call-start
scs
__scs_entry_jumppad:
0x0: {  	(pc) =	sbr.rel $0x88, $3  }
0x1: {  	(tag) =	ssettag $0x0;
	lr =	simm.s32 $0x1  }
0x2: {  	[smem:$0x3F96] =	sst lr;
	_ =	strace $0xD0000000  }
0x3: {  	_ = 	snop  }
0x4: {  	_ = 	snop  }
0x5: {  	_ = 	snop  }
0x6: {  	_ = 	snop  }
0x7: {  	_ = 	snop  }
__scs_overlays_trampoline_lowered:
0x8: {  	[smem:$0x3FA5] =	sst s0  }
0x9: {  	[smem:$0x3FA6] =	sst s1  }
0xa: {  	[smem:$0x3FA7] =	sst s2  }
0xb: {  	[smem:$0x3FA8] =	sst s3  }
0xc: {  	[smem:$0x3FA9] =	sst s4  }
0xd: {  	[smem:$0x3FAA] =	sst s5  }
0xe: {  	[smem:$0x3FAB] =	sst s6  }
0xf: {  	[smem:$0x3FAC] =	sst s7  }
0x10: {  	[smem:$0x3FAD] =	sst s8  }
0x11: {  	[smem:$0x3FAE] =	sst s9;
	s0 =	simm.s32 @!p0 $0x0  }
0x12: {  	s1 =	sld [smem:$0x3F94];
	s0 =	simm.s32 @p0 $0x1  }
0x13: {  	[smem:$0x3FAF] =	sst s0;
	s0 =	simm.s32 @!p1 $0x0  }
0x14: {  	s2 =	sld [smem:$0x3F93];
	s0 =	simm.s32 @p1 $0x1  }
0x15: {  	[smem:$0x3FB0] =	sst s0;
	s0 =	simm.s32 @!p2 $0x0  }
0x16: {  	s3 =	sld [smem:$0x3FDB];
	s0 =	simm.s32 @p2 $0x1  }
0x17: {  	s4 =	simm.s32 $0x1BF5;
	[smem:$0x3FB2] =	sst s0  }
0x18: {  	s0 =	sld [smem:$0x3F95];
	_ =	swait.ge [sflag:s4], $0x0  }
0x19: {  	s7 =	sld [smem:$0x3F96]  }
0x1a: {  	s8 =	sadd.s32 $0xFFFFE003, lr  }
0x1b: {  	s9 =	sadd.s32 $0xFFFFFEF7, lr;
	s5 =	simm.s32 $0xFFFFFFFF;
	p2 =	slt.u32 s8, $0xFFFFF086  }
0x1c: {  	p1 =	slt.u32 s9, $0xF7A;
	s5 =	simm.s32 @!p2 $0x0  }
0x1d: {  	s5 =	simm.s32 @p1 $0x1;
	p0 =	seq.s32 s7, s2  }
0x1e: {  	s7 =	smul.u32 @!p0 $0xF7A, s2;
	p2 =	seq.s32 @!p0 s5, $0x0  }
0x1f: {  	s9 =	smul.u32 $0xF7A, s1;
	s8 =	simm.s32 @!p0 $0x1BF5;
	p2 =	por !p2, p0  }
0x20: {  	[sflag:s8] =	ssyncset.s32 @!p0 $0xFFFFF086;
	s6 =	sadd.s32 @!p0 s3, s7;
	s7 =	simm.s32 @!p0 $0x108  }
0x21: {  	s3 =	sadd.s32 s3, s9;
	s6 =	sadd.s32 @!p0 $0x88, s6;
	s7 =	simm.s32 @p2 $0x1082  }
0x22: {  	[simem:s7], [sflag:s8] =	dma.local @!p0 [hbm:s6], $0xF7A  }
0x23: {  	s9 =	sor.u32 $0xD0000000, s2;
	s6 =	simm.s32 $0x108;
	_ =	swait.ge @!p0 [sflag:s8], $0x0  }
0x24: {  	s3 =	sadd.s32 $0x88, s3;
	s6 =	simm.s32 @!p1 $0x1082;
	[sflag:s4] =	ssyncset.s32 $0xFFFFF086  }
0x25: {  	[simem:s6], [sflag:s4] =	dma.local [hbm:s3], $0xF7A  }
0x26: {  	[smem:$0x3F96] =	sst s1;
	(tag) =	ssettag s2;
	_ =	strace s9  }
0x27: {  	s1 =	sld [smem:$0x3FA6]  }
0x28: {  	s2 =	sld [smem:$0x3FA7]  }
0x29: {  	s4 =	sld [smem:$0x3FA9]  }
0x2a: {  	p0 =	seq.s32 s5, $0x0;
	s5 =	sld [smem:$0x3FAA]  }
0x2b: {  	s6 =	sld [smem:$0x3FAB]  }
0x2c: {  	s7 =	sld [smem:$0x3FAC]  }
0x2d: {  	s3 =	simm.s32 $0x108;
	s8 =	sld [smem:$0x3FAD]  }
0x2e: {  	s3 =	simm.s32 @!p0 $0x1082;
	s9 =	sld [smem:$0x3FAE]  }
0x2f: {  	lr =	sadd.s32 s0, s3;
	s0 =	sld [smem:$0x3FA5]  }
0x30: {  	s3 =	sld [smem:$0x3FA8]  }
0x31: {  	[smem:$0x3FB1] =	sst s10  }
0x32: {  	s10 =	sld [smem:$0x3FAF];
	_ =	sdelay $0x3  }
0x33: {  	p0 =	seq.s32 s10, $0x1;
	s10 =	sld [smem:$0x3FB1];
	_ =	sdelay $0x3  }
0x34: {  	[smem:$0x3FB1] =	sst s10  }
0x35: {  	s10 =	sld [smem:$0x3FB0];
	_ =	sdelay $0x3  }
0x36: {  	p1 =	seq.s32 s10, $0x1;
	s10 =	sld [smem:$0x3FB1];
	_ =	sdelay $0x3  }
0x37: {  	[smem:$0x3FB1] =	sst s10  }
0x38: {  	s10 =	sld [smem:$0x3FB2]  }
0x39: {  	_ = 	snop;
	(pc) =	sbr.ind lr, $3  }
0x3a: {  	_ = 	snop  }
0x3b: {  	_ = 	snop  }
0x3c: {  	p2 =	seq.s32 s10, $0x1;
	s10 =	sld [smem:$0x3FB1]  }
0x3d: {  	_ =	shalt  }
0x3e: {  	_ =	shalt  }
0x3f: {  	_ =	shalt  }
0x40: {  	_ =	shalt  }
0x41: {  	_ =	shalt  }
0x42: {  	_ =	shalt  }
0x43: {  	_ =	shalt  }
0x44: {  	_ =	shalt  }
0x45: {  	_ =	shalt  }
0x46: {  	_ =	shalt  }
0x47: {  	_ =	shalt  }
0x48: {  	_ =	shalt  }
0x49: {  	_ =	shalt  }
0x4a: {  	_ =	shalt  }
0x4b: {  	_ =	shalt  }
0x4c: {  	_ =	shalt  }
0x4d: {  	_ =	shalt  }
0x4e: {  	_ =	shalt  }
0x4f: {  	_ =	shalt  }
0x50: {  	_ =	shalt  }
0x51: {  	_ =	shalt  }
0x52: {  	_ =	shalt  }
0x53: {  	_ =	shalt  }
0x54: {  	_ =	shalt  }
0x55: {  	_ =	shalt  }
0x56: {  	_ =	shalt  }
0x57: {  	_ =	shalt  }
0x58: {  	_ =	shalt  }
0x59: {  	_ =	shalt  }
0x5a: {  	_ =	shalt  }
0x5b: {  	_ =	shalt  }
0x5c: {  	_ =	shalt  }
0x5d: {  	_ =	shalt  }
0x5e: {  	_ =	shalt  }
0x5f: {  	_ =	shalt  }
0x60: {  	_ =	shalt  }
0x61: {  	_ =	shalt  }
0x62: {  	_ =	shalt  }
0x63: {  	_ =	shalt  }
0x64: {  	_ =	shalt  }
0x65: {  	_ =	shalt  }
0x66: {  	_ =	shalt  }
0x67: {  	_ =	shalt  }
0x68: {  	_ =	shalt  }
0x69: {  	_ =	shalt  }
0x6a: {  	_ =	shalt  }
0x6b: {  	_ =	shalt  }
0x6c: {  	_ =	shalt  }
0x6d: {  	_ =	shalt  }
0x6e: {  	_ =	shalt  }
0x6f: {  	_ =	shalt  }
0x70: {  	_ =	shalt  }
0x71: {  	_ =	shalt  }
0x72: {  	_ =	shalt  }
0x73: {  	_ =	shalt  }
0x74: {  	_ =	shalt  }
0x75: {  	_ =	shalt  }
0x76: {  	_ =	shalt  }
0x77: {  	_ =	shalt  }
0x78: {  	_ =	shalt  }
0x79: {  	_ =	shalt  }
0x7a: {  	_ =	shalt  }
0x7b: {  	_ =	shalt  }
0x7c: {  	_ =	shalt  }
0x7d: {  	_ =	shalt  }
0x7e: {  	_ =	shalt  }
0x7f: {  	_ =	shalt  }
0x80: {  	_ =	shalt  }
0x81: {  	_ =	shalt  }
0x82: {  	_ =	shalt  }
0x83: {  	_ =	shalt  }
0x84: {  	_ =	shalt  }
0x85: {  	_ =	shalt  }
0x86: {  	_ =	shalt  }
0x87: {  	_ =	shalt  }
.Lfunc_end0:
.L_simem_size_0:
called_computation.1_lowered:
.L_overlay_start_0:
0x88: {  	s2 =	sld [smem:$0x3FD9]  }
0x89: {  	s3 =	sld [smem:$0x3FFE];
	_ =	sdelay $0x1  }
0x8a: {  	s1 =	srdreg.scid  }
0x8b: {  	s0 =	sand.u32 $0x1, s1  }
0x8c: {  	s16 =	sshll.u32 s0, $0xA;
	s2 =	sadd.s32 s3, s2  }
0x8d: {  	s2 =	sadd.s32 s2, s16  }
0x8e: {  	[smem:$0x3FBD] =	sst s2  }
0x8f: {  	_ = 	snop  }
0x90: {  	(tm) =	ssettm $0x1  }
0x91: {  	s17 =	sld [smem:$0x3FFB];
	_ =	sdelay $0x3  }
0x92: {  	_ =	strace s17  }
0x93: {  	s2 =	sld [smem:$0x3FFC];
	_ =	sdelay $0x3  }
0x94: {  	_ =	strace s2  }
0x95: {  	s2 =	sld [smem:$0x3FFD];
	_ =	sdelay $0x3  }
0x96: {  	_ =	strace s2  }
0x97: {  	_ =	strace $0x8FFFFFFF  }
0x98: {  	s18 =	sld [smem:$0x3FDB];
	_ =	sdelay $0x1  }
0x99: {  	s19 =	simm.s32 $_scs_section_size  }
0x9a: {  	s4 =	simm.s32 $_size__tile_overlayer_lowered;
	s5 =	simm.s32 $_tile_overlayer_lowered  }
0x9b: {  	s22 =	simm.s32 $0x1BFF;
	s21 =	sshll.u32 s5, $0x1;
	s2 =	sadd.s32 s19, s18  }
0x9c: {  	s6 =	simm.s32 $0x0;
	s20 =	sshll.u32 s4, $0x1;
	s4 =	sadd.s32 s21, s2  }
0x9d: {  	[timem:s6], [sflag:s22] =	dma.local [hbm:s4], s20  }
0x9e: {  	_ =	swait.ge [sflag:s22], s20  }
0x9f: {  	s3 =	ssub.s32 $0x0, s20;
	[sflag:s22] =	ssyncset.done $0x0  }
0xa0: {  	[sflag:s22] =	ssyncadd.s32 s3;
	_ =	sdelay $0x1  }
0xa1: {  	s23 =	simm.s32 $0x1B8B  }
0xa2: {  	_ =	swait.ge [sflag:s23], $0x1  }
0xa3: {  	[sflag:s23] =	ssyncset.done $0x0  }
0xa4: {  	s25 =	simm.s32 $0x1B8E;
	s24 =	sld [smem:$0x3FFE];
	[sflag:s23] =	ssyncadd.s32 $0xFFFFFFFF  }
0xa5: {  	s26 =	simm.s32 $execute0_lowered;
	[smem:$0x3FD2] =	sst s25  }
0xa6: {  	s4 =	sshll.u32 s26, $0x1;
	_ =	strace $0x80000049;
	[dreg:$0x1] =	wrdreg $0xFFFFFFFF  }
0xa7: {  	s28 =	simm.s32 $_size_execute0_lowered;
	s2 =	sadd.s32 s2, s4;
	[dreg:$0x0] =	wrdreg $0x0  }
0xa8: {  	s4 =	sshll.u32 s28, $0x1;
	[dreg:$0x2] =	wrdreg s2  }
0xa9: {  	[dreg:$0x3] =	wrdreg s4  }
0xaa: {  	[dreg:$0x4] =	wrdreg $0xC0  }
0xab: {  	_ =	task [dreg:s6], $0x5FFFF  }
0xac: {  	[dreg:$0x1] =	wrdreg $0xFFFFFFFF  }
0xad: {  	[dreg:$0x0] =	wrdreg $0x60  }
0xae: {  	[dreg:$0x2] =	wrdreg s24  }
0xaf: {  	[dreg:$0x3] =	wrdreg $0xA8800  }
0xb0: {  	[dreg:$0x4] =	wrdreg $0x9  }
0xb1: {  	_ =	task.clear_ibuf [dreg:s6], $0x5FFFF;
	_ =	strace $0x90000049  }
0xb2: {  	s29 =	simm.s32 $0x9;
	_ =	strace $0x8000004B  }
0xb3: {  	_ =	swait.ge [sflag:s29], $0x1  }
0xb4: {  	[sflag:s29] =	ssyncadd.s32 $0xFFFFFFFF  }
0xb5: {  	_ =	strace $0x9000004B  }
0xb6: {  	_ =	sfence  }
0xb7: {  	s30 =	sld [smem:$0x0];
	_ =	sdelay $0x2  }
0xb8: {  	s31 =	sshll.u32 s1, $0xD;
	s1 =	sshrl.u32 s1, $0x2  }
0xb9: {  	s3 =	sand.u32 $0x4000, s31;
	s1 =	sadd.s32 s1, s30  }
0xba: {  	s0 =	sor.u32 s3, s0;
	s1 =	sshll.u32 s1, $0x11  }
0xbb: {  	s0 =	sor.u32 s1, s0  }
0xbc: {  	s0 =	sadd.s32 $0x8F2B, s0  }
0xbd: {  	[sflag:s0] =	ssyncadd.remote.s32 $0x1  }
0xbe: {  	_ =	sfence.sel $0xFFFF  }
0xbf: {  	[dreg:$0x0] =	wrdreg $0xFFFFFFFF;
	(pc) =	sbr.abs _section_cstart, $3  }
0xc0: {  	[dreg:$0x1] =	wrdreg $0xFFFFFFFF  }
0xc1: {  	_ =	task.clear_ibuf [dreg:s6], $0x2FFFF;
	_ =	strace $0x9FFFFFFF  }
0xc2: {  	(tm) =	ssettm $0x7FFFFFFF  }
0xc3: {  	_ =	shalt  }
tec
execute0_lowered:
.L_overlay_start_1:
0x0: {  	(tag) =	ssettag $0x1  }
0x1: {  	s6 =	rddreg [dreg:$0x0]  }
0x2: {  	s0 =	srdreg.scid;
	s2 =	rddreg [dreg:$0x1]  }
0x3: {  	s3 =	simm.s32 $0x0;
	s5 =	sand.u32 $0x1, s0;
	s0 =	stileid.u32  }
0x4: {  	s18 =	simm.s32 $0x6880;
	s19 =	simm.s32 $0x1;
	s7 =	smul.u32 $0x14000, s0  }
0x5: {  	s20 =	simm.s32 $0x2800;
	s21 =	simm.s32 $0x0;
	s9 =	smul.u32 $0x140000, s5  }
0x6: {  	[smem:$0x7FF] =	sst s3;
	s13 =	sadd.s32 $0x2600, s6;
	s12 =	smul.u32 $0x50000, s0  }
0x7: {  	s1 =	sshll.u32 s5, $0x4;
	s22 =	ssub.s32 $0x2, s5;
	s24 =	smul.u32 $0x28000, s5  }
0x8: {  	s26 =	smul.u32 $0x2800, s0;
	s28 =	sshll.u32 s0, $0x6;
	s4 =	sor.u32 s0, s1  }
0x9: {  	s1 =	rddreg [dreg:$0x2];
	_ =	strace $0x8000004A;
	s23 =	sshrl.u32 s22, $0x1  }
0xa: {  	s4 =	smul.u32 $0x2800, s4;
	s11 =	sshrl.u32 s7, $0x3;
	s7 =	sadd.s32 s7, s9  }
0xb: {  	s15 =	ssub.s32 s22, s23;
	s25 =	sshrl.u32 s12, $0x2;
	s17 =	sadd.s32 s26, s24  }
0xc: {  	s11 =	sadd.s32 s11, s6;
	s7 =	sshrl.u32 s7, $0x3;
	s16 =	sadd.s32 s25, s2  }
0xd: {  	s30 =	sor.u32 $0x80, s17;
	s31 =	sshrl.u32 s17, $0x3;
	s17 =	simm.s32 $0x2880  }
0xe: {  	s8 =	sshrl.u32 s4, $0x3;
	s4 =	sadd.s32 $0x17600, s6;
	s14 =	sadd.s32 s7, s6  }
0xf: {  	s5 =	sadd.s32 $0x3F600, s11;
	s12 =	sshrl.u32 s30, $0x3;
	s11 =	smax.u32 s15, $0x1  }
0x10: {  	s15 =	simm.s32 $0x2;
	s10 =	sadd.s32 s8, s6;
	s6 =	sor.u32 $0x1C02, s28  }
0x11: {  	s29 =	sadd.s32 s13, s8;
	s12 =	sadd.s32 s12, s13;
	s13 =	sadd.s32 s31, s13  }
0x12: {  	s7 =	sadd.s32 $0xD600, s10;
	s8 =	sadd.s32 $0x4E0, s29;
	s9 =	sadd.s32 $0x4F0, s29  }
0x13: {  	s10 =	sadd.s32 $0x67600, s14;
	s14 =	sshrl.u32 s16, $0x3;
	s16 =	simm.s32 $0x80  }
.LBB2_1:
0x14: {  	[spmem:s14], [sflag:s6] =	dma.local [hbm:s5], $0x2800  }
0x15: {  	_ =	swait.ge [sflag:s15], $0x2800  }
0x16: {  	[sflag:s15] =	ssyncset.done $0x0  }
0x17: {  	[sflag:s15] =	ssyncadd.s32 $0xFFFFD800  }
0x18: {  	[tilespmem:s3], [sflag:$0x2] =	stream.linear.gather [hbm4b:s7+s3], $0x2800, $0x38;
	[tilespmem:$0x1E880] =	vst v63  }
0x19: {  	_ =	swait.ge [sflag:s15], $0x2800  }
0x1a: {  	[sflag:s15] =	ssyncset.done $0x0  }
0x1b: {  	[sflag:s15] =	ssyncadd.s32 $0xFFFFD800  }
0x1c: {  	[bflag:$0x0] =	sbarrier.arrive $0xFFFF  }
0x1d: {  	[tilespmem:s17], [sflag:$0x1] =	stream.indirect.gather [hbm4b:s4+s16], $0x80, s3, s16, $0xb8;
	[tilespmem:$0x1E880] =	vst v63  }
0x1e: {  	_ = 	snop  }
0x1f: {  	[tilespmem:s18], [sflag:$0x1] =	stream.indirect.gather [hbm4b:s4+s16], $0x80, s16, s16, $0xb8;
	[tilespmem:$0x1E880] =	vst v63  }
0x20: {  	_ =	swait.ge [sflag:s19], $0x4000  }
0x21: {  	[sflag:s19] =	ssyncset.done $0x0  }
0x22: {  	s22 =	sadd.s32 $0x0, s13;
	[sflag:s19] =	ssyncadd.s32 $0xFFFFC000  }
0x23: {  	[tilespmem:s20], [sflag:$0x2] =	stream.linear.gather [hbm4b:s22+s3], $0x80, $0x38;
	[tilespmem:$0x1E880] =	vst v63  }
0x24: {  	_ =	swait.ge [sflag:s15], $0x80  }
0x25: {  	[sflag:s15] =	ssyncset.done $0x0  }
0x26: {  	[sflag:s15] =	ssyncadd.s32 $0xFFFFFF80  }
0x27: {  	[spmem:s2] =	stream.indirect.scatter.add.f32 [tilespmem:s17], [sflag:$0x2], $0x80, s20, s16, $0xb8;
	[tilespmem:$0x1E880] =	vst v63  }
0x28: {  	_ =	swait.ge [sflag:s15], $0x4000  }
0x29: {  	[sflag:s15] =	ssyncset.done $0x0  }
0x2a: {  	s30 =	simm.s32 $0x100;
	[sflag:s15] =	ssyncadd.s32 $0xFFFFC000  }
0x2b: {  	[tilespmem:s17], [sflag:$0x1] =	stream.indirect.gather [hbm4b:s4+s16], $0x80, s30, s16, $0xb8;
	[tilespmem:$0x1E880] =	vst v63  }
0x2c: {  	_ =	swait.ge [sflag:s19], $0x4000  }
0x2d: {  	[sflag:s19] =	ssyncset.done $0x0  }
0x2e: {  	s31 =	sadd.s32 $0x0, s12;
	[sflag:s19] =	ssyncadd.s32 $0xFFFFC000  }
0x2f: {  	[tilespmem:s20], [sflag:$0x2] =	stream.linear.gather [hbm4b:s31+s3], $0x80, $0x38;
	[tilespmem:$0x1E880] =	vst v63  }
0x30: {  	_ =	swait.ge [sflag:s15], $0x80  }
0x31: {  	[sflag:s15] =	ssyncset.done $0x0  }
0x32: {  	[sflag:s15] =	ssyncadd.s32 $0xFFFFFF80  }
0x33: {  	[spmem:s2] =	stream.indirect.scatter.add.f32 [tilespmem:s18], [sflag:$0x2], $0x80, s20, s16, $0xb8;
	[tilespmem:$0x1E880] =	vst v63  }
0x34: {  	_ =	swait.ge [sflag:s15], $0x4000  }
0x35: {  	s23 =	simm.s32 $0x20;
	[sflag:s15] =	ssyncset.done $0x0  }
0x36: {  	s24 =	simm.s32 $0x280;
	s22 =	simm.s32 $0x180;
	[sflag:s15] =	ssyncadd.s32 $0xFFFFC000  }
.LBB2_2:
0x37: {  	[tilespmem:s18], [sflag:$0x1] =	stream.indirect.gather [hbm4b:s4+s16], $0x80, s22, s16, $0xb8;
	[tilespmem:$0x1E880] =	vst v63  }
0x38: {  	s25 =	smov.u32 s23;
	s22 =	smov.u32 s24  }
0x39: {  	p0 =	sne.s32 s23, $0x4C0;
	s23 =	sadd.s32 $0x20, s23;
	_ =	swait.ge [sflag:s19], $0x4000  }
0x3a: {  	[sflag:s19] =	ssyncset.done $0x0  }
0x3b: {  	s26 =	sadd.s32 s25, s13;
	[sflag:s19] =	ssyncadd.s32 $0xFFFFC000  }
0x3c: {  	[tilespmem:s20], [sflag:$0x2] =	stream.linear.gather [hbm4b:s26+s3], $0x80, $0x38;
	[tilespmem:$0x1E880] =	vst v63  }
0x3d: {  	_ =	swait.ge [sflag:s15], $0x80  }
0x3e: {  	[sflag:s15] =	ssyncset.done $0x0  }
0x3f: {  	[sflag:s15] =	ssyncadd.s32 $0xFFFFFF80  }
0x40: {  	[spmem:s2] =	stream.indirect.scatter.add.f32 [tilespmem:s17], [sflag:$0x2], $0x80, s20, s16, $0xb8;
	[tilespmem:$0x1E880] =	vst v63  }
0x41: {  	_ =	swait.ge [sflag:s15], $0x4000  }
0x42: {  	[sflag:s15] =	ssyncset.done $0x0  }
0x43: {  	s26 =	sadd.s32 $0xFFFFFF80, s24;
	[sflag:s15] =	ssyncadd.s32 $0xFFFFC000  }
0x44: {  	[tilespmem:s17], [sflag:$0x1] =	stream.indirect.gather [hbm4b:s4+s16], $0x80, s26, s16, $0xb8;
	[tilespmem:$0x1E880] =	vst v63  }
0x45: {  	_ =	swait.ge [sflag:s19], $0x4000  }
0x46: {  	[sflag:s19] =	ssyncset.done $0x0  }
0x47: {  	s25 =	sadd.s32 s25, s12;
	[sflag:s19] =	ssyncadd.s32 $0xFFFFC000  }
0x48: {  	[tilespmem:s20], [sflag:$0x2] =	stream.linear.gather [hbm4b:s25+s3], $0x80, $0x38;
	[tilespmem:$0x1E880] =	vst v63  }
0x49: {  	_ =	swait.ge [sflag:s15], $0x80  }
0x4a: {  	[sflag:s15] =	ssyncset.done $0x0  }
.Ltmp0:
0x4b: {  	[sflag:s15] =	ssyncadd.s32 $0xFFFFFF80;
	(pc) =	sbr.rel @p0 .LBB2_2-.Ltmp0, $4  }
0x4c: {  	[spmem:s2] =	stream.indirect.scatter.add.f32 [tilespmem:s18], [sflag:$0x2], $0x80, s20, s16, $0xb8;
	[tilespmem:$0x1E880] =	vst v63  }
0x4d: {  	_ =	swait.ge [sflag:s15], $0x4000  }
0x4e: {  	[sflag:s15] =	ssyncset.done $0x0  }
0x4f: {  	s24 =	sadd.s32 $0x100, s24;
	[sflag:s15] =	ssyncadd.s32 $0xFFFFC000  }
0x50: {  	[tilespmem:s18], [sflag:$0x1] =	stream.indirect.gather [hbm4b:s4+s16], $0x80, s22, s16, $0xb8;
	[tilespmem:$0x1E880] =	vst v63  }
0x51: {  	_ =	swait.ge [sflag:s19], $0x4000  }
0x52: {  	[sflag:s19] =	ssyncset.done $0x0  }
0x53: {  	[sflag:s19] =	ssyncadd.s32 $0xFFFFC000  }
0x54: {  	[tilespmem:s20], [sflag:$0x2] =	stream.linear.gather [hbm4b:s8+s3], $0x80, $0x38;
	[tilespmem:$0x1E880] =	vst v63  }
0x55: {  	_ =	swait.ge [sflag:s15], $0x80  }
0x56: {  	[sflag:s15] =	ssyncset.done $0x0  }
0x57: {  	[sflag:s15] =	ssyncadd.s32 $0xFFFFFF80  }
0x58: {  	[spmem:s2] =	stream.indirect.scatter.add.f32 [tilespmem:s17], [sflag:$0x2], $0x80, s20, s16, $0xb8;
	[tilespmem:$0x1E880] =	vst v63  }
0x59: {  	_ =	swait.ge [sflag:s15], $0x4000  }
0x5a: {  	[sflag:s15] =	ssyncset.done $0x0  }
0x5b: {  	[sflag:s15] =	ssyncadd.s32 $0xFFFFC000  }
0x5c: {  	_ =	swait.ge [sflag:s19], $0x4000  }
0x5d: {  	[sflag:s19] =	ssyncset.done $0x0  }
0x5e: {  	[sflag:s19] =	ssyncadd.s32 $0xFFFFC000  }
0x5f: {  	[tilespmem:s20], [sflag:$0x2] =	stream.linear.gather [hbm4b:s9+s3], $0x80, $0x38;
	[tilespmem:$0x1E880] =	vst v63  }
0x60: {  	_ =	swait.ge [sflag:s15], $0x80  }
0x61: {  	[sflag:s15] =	ssyncset.done $0x0  }
0x62: {  	[sflag:s15] =	ssyncadd.s32 $0xFFFFFF80  }
0x63: {  	[spmem:s2] =	stream.indirect.scatter.add.f32 [tilespmem:s18], [sflag:$0x2], $0x80, s20, s16, $0xb8;
	[tilespmem:$0x1E880] =	vst v63  }
0x64: {  	_ =	swait.ge [sflag:s15], $0x4000  }
0x65: {  	s21 =	sadd.s32 $0x1, s21;
	[sflag:s15] =	ssyncset.done $0x0  }
0x66: {  	p0 =	sne.s32 s21, s11;
	[sflag:s15] =	ssyncadd.s32 $0xFFFFC000  }
.Ltmp1:
0x67: {  	[bflag:$0x0] =	sbarrier.arrive $0xFFFF;
	(pc) =	sbr.rel @p0 .LBB2_1-.Ltmp1, $4  }
0x68: {  	[hbm:s10], [sflag:s6] =	dma.local [spmem:s14], $0x2800  }
0x69: {  	_ =	swait.ge [sflag:s15], $0x2800  }
0x6a: {  	[sflag:s15] =	ssyncset.done $0x0  }
0x6b: {  	[sflag:s15] =	ssyncadd.s32 $0xFFFFD800  }
0x6c: {  	_ =	sfence.sel $0x180000  }
0x6d: {  	[bflag:$0x0] =	sbarrier.arrive $0xFFFF  }
0x6e: {  	p0 =	sne.s32 s0, $0x0;
	_ =	strace $0x9000004A  }
0x6f: {  	s0 =	sadd.s32 @!p0 $0x100000, s1;
	[bflag:$0x2] =	sbarrier.arrive $0xFFFF  }
0x70: {  	[sflag:s0] =	ssyncadd.tile.s32 @!p0 $0x1;
	_ =	shalt  }
.Lfunc_end2:
_tile_overlayer_lowered:
.L_overlay_start_2:
0x71: {  	(tag) =	ssettag $0x2  }
0x72: {  	s0 =	rddreg [dreg:$0x0];
	s2 =	stileid.u32  }
0x73: {  	s1 =	rddreg [dreg:$0x1];
	p0 =	sne.s32 s2, $0x0  }
0x74: {  	s3 =	rddreg [dreg:$0x2];
	[bflag:$0x3] =	sbarrier.arrive $0xFFFF;
	s2 =	simm.s32 @!p0 $0x1C02  }
0x75: {  	[timem:s3], [sflag:s2] =	dma.local @!p0 [hbm:s0], s1  }
0x76: {  	s0 =	simm.s32 @!p0 $0x2  }
0x77: {  	_ =	swait.ge @!p0 [sflag:s0], s1  }
0x78: {  	s1 =	ssub.s32 @!p0 $0x0, s1;
	[sflag:s0] =	ssyncset.done @!p0 $0x0  }
0x79: {  	[sflag:s0] =	ssyncadd.s32 @!p0 s1  }
0x7a: {  	[bflag:$0x3] =	sbarrier.arrive $0xFFFF  }
0x7b: {  	_ =	shalt  }

// kernel: kernel.14.cloned.1.call-start
scs
__scs_entry_jumppad:
0x0: {  	(pc) =	sbr.rel $0x88, $3  }
0x1: {  	(tag) =	ssettag $0x0;
	lr =	simm.s32 $0x1  }
0x2: {  	[smem:$0x3F96] =	sst lr;
	_ =	strace $0xD0000000  }
0x3: {  	_ = 	snop  }
0x4: {  	_ = 	snop  }
0x5: {  	_ = 	snop  }
0x6: {  	_ = 	snop  }
0x7: {  	_ = 	snop  }
__scs_overlays_trampoline_lowered:
0x8: {  	[smem:$0x3FA5] =	sst s0  }
0x9: {  	[smem:$0x3FA6] =	sst s1  }
0xa: {  	[smem:$0x3FA7] =	sst s2  }
0xb: {  	[smem:$0x3FA8] =	sst s3  }
0xc: {  	[smem:$0x3FA9] =	sst s4  }
0xd: {  	[smem:$0x3FAA] =	sst s5  }
0xe: {  	[smem:$0x3FAB] =	sst s6  }
0xf: {  	[smem:$0x3FAC] =	sst s7  }
0x10: {  	[smem:$0x3FAD] =	sst s8  }
0x11: {  	[smem:$0x3FAE] =	sst s9;
	s0 =	simm.s32 @!p0 $0x0  }
0x12: {  	s1 =	sld [smem:$0x3F94];
	s0 =	simm.s32 @p0 $0x1  }
0x13: {  	[smem:$0x3FAF] =	sst s0;
	s0 =	simm.s32 @!p1 $0x0  }
0x14: {  	s2 =	sld [smem:$0x3F93];
	s0 =	simm.s32 @p1 $0x1  }
0x15: {  	[smem:$0x3FB0] =	sst s0;
	s0 =	simm.s32 @!p2 $0x0  }
0x16: {  	s3 =	sld [smem:$0x3FDB];
	s0 =	simm.s32 @p2 $0x1  }
0x17: {  	s4 =	simm.s32 $0x1BF5;
	[smem:$0x3FB2] =	sst s0  }
0x18: {  	s0 =	sld [smem:$0x3F95];
	_ =	swait.ge [sflag:s4], $0x0  }
0x19: {  	s7 =	sld [smem:$0x3F96]  }
0x1a: {  	s8 =	sadd.s32 $0xFFFFE003, lr  }
0x1b: {  	s9 =	sadd.s32 $0xFFFFFEF7, lr;
	s5 =	simm.s32 $0xFFFFFFFF;
	p2 =	slt.u32 s8, $0xFFFFF086  }
0x1c: {  	p1 =	slt.u32 s9, $0xF7A;
	s5 =	simm.s32 @!p2 $0x0  }
0x1d: {  	s5 =	simm.s32 @p1 $0x1;
	p0 =	seq.s32 s7, s2  }
0x1e: {  	s7 =	smul.u32 @!p0 $0xF7A, s2;
	p2 =	seq.s32 @!p0 s5, $0x0  }
0x1f: {  	s9 =	smul.u32 $0xF7A, s1;
	s8 =	simm.s32 @!p0 $0x1BF5;
	p2 =	por !p2, p0  }
0x20: {  	[sflag:s8] =	ssyncset.s32 @!p0 $0xFFFFF086;
	s6 =	sadd.s32 @!p0 s3, s7;
	s7 =	simm.s32 @!p0 $0x108  }
0x21: {  	s3 =	sadd.s32 s3, s9;
	s6 =	sadd.s32 @!p0 $0x88, s6;
	s7 =	simm.s32 @p2 $0x1082  }
0x22: {  	[simem:s7], [sflag:s8] =	dma.local @!p0 [hbm:s6], $0xF7A  }
0x23: {  	s9 =	sor.u32 $0xD0000000, s2;
	s6 =	simm.s32 $0x108;
	_ =	swait.ge @!p0 [sflag:s8], $0x0  }
0x24: {  	s3 =	sadd.s32 $0x88, s3;
	s6 =	simm.s32 @!p1 $0x1082;
	[sflag:s4] =	ssyncset.s32 $0xFFFFF086  }
0x25: {  	[simem:s6], [sflag:s4] =	dma.local [hbm:s3], $0xF7A  }
0x26: {  	[smem:$0x3F96] =	sst s1;
	(tag) =	ssettag s2;
	_ =	strace s9  }
0x27: {  	s1 =	sld [smem:$0x3FA6]  }
0x28: {  	s2 =	sld [smem:$0x3FA7]  }
0x29: {  	s4 =	sld [smem:$0x3FA9]  }
0x2a: {  	p0 =	seq.s32 s5, $0x0;
	s5 =	sld [smem:$0x3FAA]  }
0x2b: {  	s6 =	sld [smem:$0x3FAB]  }
0x2c: {  	s7 =	sld [smem:$0x3FAC]  }
0x2d: {  	s3 =	simm.s32 $0x108;
	s8 =	sld [smem:$0x3FAD]  }
0x2e: {  	s3 =	simm.s32 @!p0 $0x1082;
	s9 =	sld [smem:$0x3FAE]  }
0x2f: {  	lr =	sadd.s32 s0, s3;
	s0 =	sld [smem:$0x3FA5]  }
0x30: {  	s3 =	sld [smem:$0x3FA8]  }
0x31: {  	[smem:$0x3FB1] =	sst s10  }
0x32: {  	s10 =	sld [smem:$0x3FAF];
	_ =	sdelay $0x3  }
0x33: {  	p0 =	seq.s32 s10, $0x1;
	s10 =	sld [smem:$0x3FB1];
	_ =	sdelay $0x3  }
0x34: {  	[smem:$0x3FB1] =	sst s10  }
0x35: {  	s10 =	sld [smem:$0x3FB0];
	_ =	sdelay $0x3  }
0x36: {  	p1 =	seq.s32 s10, $0x1;
	s10 =	sld [smem:$0x3FB1];
	_ =	sdelay $0x3  }
0x37: {  	[smem:$0x3FB1] =	sst s10  }
0x38: {  	s10 =	sld [smem:$0x3FB2]  }
0x39: {  	_ = 	snop;
	(pc) =	sbr.ind lr, $3  }
0x3a: {  	_ = 	snop  }
0x3b: {  	_ = 	snop  }
0x3c: {  	p2 =	seq.s32 s10, $0x1;
	s10 =	sld [smem:$0x3FB1]  }
0x3d: {  	_ =	shalt  }
0x3e: {  	_ =	shalt  }
0x3f: {  	_ =	shalt  }
0x40: {  	_ =	shalt  }
0x41: {  	_ =	shalt  }
0x42: {  	_ =	shalt  }
0x43: {  	_ =	shalt  }
0x44: {  	_ =	shalt  }
0x45: {  	_ =	shalt  }
0x46: {  	_ =	shalt  }
0x47: {  	_ =	shalt  }
0x48: {  	_ =	shalt  }
0x49: {  	_ =	shalt  }
0x4a: {  	_ =	shalt  }
0x4b: {  	_ =	shalt  }
0x4c: {  	_ =	shalt  }
0x4d: {  	_ =	shalt  }
0x4e: {  	_ =	shalt  }
0x4f: {  	_ =	shalt  }
0x50: {  	_ =	shalt  }
0x51: {  	_ =	shalt  }
0x52: {  	_ =	shalt  }
0x53: {  	_ =	shalt  }
0x54: {  	_ =	shalt  }
0x55: {  	_ =	shalt  }
0x56: {  	_ =	shalt  }
0x57: {  	_ =	shalt  }
0x58: {  	_ =	shalt  }
0x59: {  	_ =	shalt  }
0x5a: {  	_ =	shalt  }
0x5b: {  	_ =	shalt  }
0x5c: {  	_ =	shalt  }
0x5d: {  	_ =	shalt  }
0x5e: {  	_ =	shalt  }
0x5f: {  	_ =	shalt  }
0x60: {  	_ =	shalt  }
0x61: {  	_ =	shalt  }
0x62: {  	_ =	shalt  }
0x63: {  	_ =	shalt  }
0x64: {  	_ =	shalt  }
0x65: {  	_ =	shalt  }
0x66: {  	_ =	shalt  }
0x67: {  	_ =	shalt  }
0x68: {  	_ =	shalt  }
0x69: {  	_ =	shalt  }
0x6a: {  	_ =	shalt  }
0x6b: {  	_ =	shalt  }
0x6c: {  	_ =	shalt  }
0x6d: {  	_ =	shalt  }
0x6e: {  	_ =	shalt  }
0x6f: {  	_ =	shalt  }
0x70: {  	_ =	shalt  }
0x71: {  	_ =	shalt  }
0x72: {  	_ =	shalt  }
0x73: {  	_ =	shalt  }
0x74: {  	_ =	shalt  }
0x75: {  	_ =	shalt  }
0x76: {  	_ =	shalt  }
0x77: {  	_ =	shalt  }
0x78: {  	_ =	shalt  }
0x79: {  	_ =	shalt  }
0x7a: {  	_ =	shalt  }
0x7b: {  	_ =	shalt  }
0x7c: {  	_ =	shalt  }
0x7d: {  	_ =	shalt  }
0x7e: {  	_ =	shalt  }
0x7f: {  	_ =	shalt  }
0x80: {  	_ =	shalt  }
0x81: {  	_ =	shalt  }
0x82: {  	_ =	shalt  }
0x83: {  	_ =	shalt  }
0x84: {  	_ =	shalt  }
0x85: {  	_ =	shalt  }
0x86: {  	_ =	shalt  }
0x87: {  	_ =	shalt  }
.Lfunc_end0:
.L_simem_size_0:
called_computation.2_lowered:
.L_overlay_start_0:
0x88: {  	s2 =	sld [smem:$0x3FD9]  }
0x89: {  	s3 =	sld [smem:$0x3FFE];
	_ =	sdelay $0x1  }
0x8a: {  	s1 =	srdreg.scid  }
0x8b: {  	s0 =	sand.u32 $0x1, s1  }
0x8c: {  	s16 =	sshll.u32 s0, $0xA;
	s2 =	sadd.s32 s3, s2  }
0x8d: {  	s2 =	sadd.s32 s2, s16  }
0x8e: {  	[smem:$0x3FBD] =	sst s2  }
0x8f: {  	_ = 	snop  }
0x90: {  	(tm) =	ssettm $0x1  }
0x91: {  	s17 =	sld [smem:$0x3FFB];
	_ =	sdelay $0x3  }
0x92: {  	_ =	strace s17  }
0x93: {  	s2 =	sld [smem:$0x3FFC];
	_ =	sdelay $0x3  }
0x94: {  	_ =	strace s2  }
0x95: {  	s2 =	sld [smem:$0x3FFD];
	_ =	sdelay $0x3  }
0x96: {  	_ =	strace s2  }
0x97: {  	_ =	strace $0x8FFFFFFF  }
0x98: {  	s18 =	sld [smem:$0x3FDB];
	_ =	sdelay $0x1  }
0x99: {  	s19 =	simm.s32 $_scs_section_size  }
0x9a: {  	s4 =	simm.s32 $_size__tile_overlayer_lowered;
	s5 =	simm.s32 $_tile_overlayer_lowered  }
0x9b: {  	s22 =	simm.s32 $0x1BFF;
	s21 =	sshll.u32 s5, $0x1;
	s2 =	sadd.s32 s19, s18  }
0x9c: {  	s6 =	simm.s32 $0x0;
	s20 =	sshll.u32 s4, $0x1;
	s4 =	sadd.s32 s21, s2  }
0x9d: {  	[timem:s6], [sflag:s22] =	dma.local [hbm:s4], s20  }
0x9e: {  	_ =	swait.ge [sflag:s22], s20  }
0x9f: {  	s3 =	ssub.s32 $0x0, s20;
	[sflag:s22] =	ssyncset.done $0x0  }
0xa0: {  	[sflag:s22] =	ssyncadd.s32 s3;
	_ =	sdelay $0x1  }
0xa1: {  	s23 =	simm.s32 $0x1B8B  }
0xa2: {  	_ =	swait.ge [sflag:s23], $0x1  }
0xa3: {  	[sflag:s23] =	ssyncset.done $0x0  }
0xa4: {  	s25 =	simm.s32 $0x1B8E;
	s24 =	sld [smem:$0x3FFE];
	[sflag:s23] =	ssyncadd.s32 $0xFFFFFFFF  }
0xa5: {  	s26 =	simm.s32 $execute0_lowered;
	[smem:$0x3FD2] =	sst s25  }
0xa6: {  	s4 =	sshll.u32 s26, $0x1;
	_ =	strace $0x8000004C;
	[dreg:$0x1] =	wrdreg $0xFFFFFFFF  }
0xa7: {  	s28 =	simm.s32 $_size_execute0_lowered;
	s2 =	sadd.s32 s2, s4;
	[dreg:$0x0] =	wrdreg $0x0  }
0xa8: {  	s4 =	sshll.u32 s28, $0x1;
	[dreg:$0x2] =	wrdreg s2  }
0xa9: {  	[dreg:$0x3] =	wrdreg s4  }
0xaa: {  	[dreg:$0x4] =	wrdreg $0xC0  }
0xab: {  	_ =	task [dreg:s6], $0x5FFFF  }
0xac: {  	[dreg:$0x1] =	wrdreg $0xFFFFFFFF  }
0xad: {  	[dreg:$0x0] =	wrdreg $0x60  }
0xae: {  	[dreg:$0x2] =	wrdreg s24  }
0xaf: {  	[dreg:$0x3] =	wrdreg $0xA8800  }
0xb0: {  	[dreg:$0x4] =	wrdreg $0x9  }
0xb1: {  	_ =	task.clear_ibuf [dreg:s6], $0x5FFFF;
	_ =	strace $0x9000004C  }
0xb2: {  	s29 =	simm.s32 $0x9;
	_ =	strace $0x8000004E  }
0xb3: {  	_ =	swait.ge [sflag:s29], $0x1  }
0xb4: {  	[sflag:s29] =	ssyncadd.s32 $0xFFFFFFFF  }
0xb5: {  	_ =	strace $0x9000004E  }
0xb6: {  	_ =	sfence  }
0xb7: {  	s30 =	sld [smem:$0x0];
	_ =	sdelay $0x2  }
0xb8: {  	s31 =	sshll.u32 s1, $0xD;
	s1 =	sshrl.u32 s1, $0x2  }
0xb9: {  	s3 =	sand.u32 $0x4000, s31;
	s1 =	sadd.s32 s1, s30  }
0xba: {  	s0 =	sor.u32 s3, s0;
	s1 =	sshll.u32 s1, $0x11  }
0xbb: {  	s0 =	sor.u32 s1, s0  }
0xbc: {  	s0 =	sadd.s32 $0x8F2B, s0  }
0xbd: {  	[sflag:s0] =	ssyncadd.remote.s32 $0x1  }
0xbe: {  	_ =	sfence.sel $0xFFFF  }
0xbf: {  	[dreg:$0x0] =	wrdreg $0xFFFFFFFF;
	(pc) =	sbr.abs _section_cstart, $3  }
0xc0: {  	[dreg:$0x1] =	wrdreg $0xFFFFFFFF  }
0xc1: {  	_ =	task.clear_ibuf [dreg:s6], $0x2FFFF;
	_ =	strace $0x9FFFFFFF  }
0xc2: {  	(tm) =	ssettm $0x7FFFFFFF  }
0xc3: {  	_ =	shalt  }
tec
execute0_lowered:
.L_overlay_start_1:
0x0: {  	(tag) =	ssettag $0x1  }
0x1: {  	s6 =	rddreg [dreg:$0x0]  }
0x2: {  	s0 =	srdreg.scid;
	s2 =	rddreg [dreg:$0x1]  }
0x3: {  	s3 =	simm.s32 $0x0;
	s5 =	sand.u32 $0x1, s0;
	s0 =	stileid.u32  }
0x4: {  	s18 =	simm.s32 $0x6880;
	s19 =	simm.s32 $0x1;
	s7 =	smul.u32 $0x14000, s0  }
0x5: {  	s20 =	simm.s32 $0x2800;
	s21 =	simm.s32 $0x0;
	s9 =	smul.u32 $0x140000, s5  }
0x6: {  	[smem:$0x7FF] =	sst s3;
	s13 =	sadd.s32 $0x2600, s6;
	s12 =	smul.u32 $0x50000, s0  }
0x7: {  	s1 =	sshll.u32 s5, $0x4;
	s22 =	ssub.s32 $0x2, s5;
	s24 =	smul.u32 $0x28000, s5  }
0x8: {  	s26 =	smul.u32 $0x2800, s0;
	s28 =	sshll.u32 s0, $0x6;
	s4 =	sor.u32 s0, s1  }
0x9: {  	s1 =	rddreg [dreg:$0x2];
	_ =	strace $0x8000004D;
	s23 =	sshrl.u32 s22, $0x1  }
0xa: {  	s4 =	smul.u32 $0x2800, s4;
	s11 =	sshrl.u32 s7, $0x3;
	s7 =	sadd.s32 s7, s9  }
0xb: {  	s15 =	ssub.s32 s22, s23;
	s25 =	sshrl.u32 s12, $0x2;
	s17 =	sadd.s32 s26, s24  }
0xc: {  	s11 =	sadd.s32 s11, s6;
	s7 =	sshrl.u32 s7, $0x3;
	s16 =	sadd.s32 s25, s2  }
0xd: {  	s30 =	sor.u32 $0x80, s17;
	s31 =	sshrl.u32 s17, $0x3;
	s17 =	simm.s32 $0x2880  }
0xe: {  	s8 =	sshrl.u32 s4, $0x3;
	s4 =	sadd.s32 $0x17600, s6;
	s14 =	sadd.s32 s7, s6  }
0xf: {  	s5 =	sadd.s32 $0x3F600, s11;
	s12 =	sshrl.u32 s30, $0x3;
	s11 =	smax.u32 s15, $0x1  }
0x10: {  	s15 =	simm.s32 $0x2;
	s10 =	sadd.s32 s8, s6;
	s6 =	sor.u32 $0x1C02, s28  }
0x11: {  	s29 =	sadd.s32 s13, s8;
	s12 =	sadd.s32 s12, s13;
	s13 =	sadd.s32 s31, s13  }
0x12: {  	s7 =	sadd.s32 $0xD600, s10;
	s8 =	sadd.s32 $0x4E0, s29;
	s9 =	sadd.s32 $0x4F0, s29  }
0x13: {  	s10 =	sadd.s32 $0x67600, s14;
	s14 =	sshrl.u32 s16, $0x3;
	s16 =	simm.s32 $0x80  }
.LBB2_1:
0x14: {  	[spmem:s14], [sflag:s6] =	dma.local [hbm:s5], $0x2800  }
0x15: {  	_ =	swait.ge [sflag:s15], $0x2800  }
0x16: {  	[sflag:s15] =	ssyncset.done $0x0  }
0x17: {  	[sflag:s15] =	ssyncadd.s32 $0xFFFFD800  }
0x18: {  	[tilespmem:s3], [sflag:$0x2] =	stream.linear.gather [hbm4b:s7+s3], $0x2800, $0x38;
	[tilespmem:$0x1E880] =	vst v63  }
0x19: {  	_ =	swait.ge [sflag:s15], $0x2800  }
0x1a: {  	[sflag:s15] =	ssyncset.done $0x0  }
0x1b: {  	[sflag:s15] =	ssyncadd.s32 $0xFFFFD800  }
0x1c: {  	[bflag:$0x0] =	sbarrier.arrive $0xFFFF  }
0x1d: {  	[tilespmem:s17], [sflag:$0x1] =	stream.indirect.gather [hbm4b:s4+s16], $0x80, s3, s16, $0xb8;
	[tilespmem:$0x1E880] =	vst v63  }
0x1e: {  	_ = 	snop  }
0x1f: {  	[tilespmem:s18], [sflag:$0x1] =	stream.indirect.gather [hbm4b:s4+s16], $0x80, s16, s16, $0xb8;
	[tilespmem:$0x1E880] =	vst v63  }
0x20: {  	_ =	swait.ge [sflag:s19], $0x4000  }
0x21: {  	[sflag:s19] =	ssyncset.done $0x0  }
0x22: {  	s22 =	sadd.s32 $0x0, s13;
	[sflag:s19] =	ssyncadd.s32 $0xFFFFC000  }
0x23: {  	[tilespmem:s20], [sflag:$0x2] =	stream.linear.gather [hbm4b:s22+s3], $0x80, $0x38;
	[tilespmem:$0x1E880] =	vst v63  }
0x24: {  	_ =	swait.ge [sflag:s15], $0x80  }
0x25: {  	[sflag:s15] =	ssyncset.done $0x0  }
0x26: {  	[sflag:s15] =	ssyncadd.s32 $0xFFFFFF80  }
0x27: {  	[spmem:s2] =	stream.indirect.scatter.add.f32 [tilespmem:s17], [sflag:$0x2], $0x80, s20, s16, $0xb8;
	[tilespmem:$0x1E880] =	vst v63  }
0x28: {  	_ =	swait.ge [sflag:s15], $0x4000  }
0x29: {  	[sflag:s15] =	ssyncset.done $0x0  }
0x2a: {  	s30 =	simm.s32 $0x100;
	[sflag:s15] =	ssyncadd.s32 $0xFFFFC000  }
0x2b: {  	[tilespmem:s17], [sflag:$0x1] =	stream.indirect.gather [hbm4b:s4+s16], $0x80, s30, s16, $0xb8;
	[tilespmem:$0x1E880] =	vst v63  }
0x2c: {  	_ =	swait.ge [sflag:s19], $0x4000  }
0x2d: {  	[sflag:s19] =	ssyncset.done $0x0  }
0x2e: {  	s31 =	sadd.s32 $0x0, s12;
	[sflag:s19] =	ssyncadd.s32 $0xFFFFC000  }
0x2f: {  	[tilespmem:s20], [sflag:$0x2] =	stream.linear.gather [hbm4b:s31+s3], $0x80, $0x38;
	[tilespmem:$0x1E880] =	vst v63  }
0x30: {  	_ =	swait.ge [sflag:s15], $0x80  }
0x31: {  	[sflag:s15] =	ssyncset.done $0x0  }
0x32: {  	[sflag:s15] =	ssyncadd.s32 $0xFFFFFF80  }
0x33: {  	[spmem:s2] =	stream.indirect.scatter.add.f32 [tilespmem:s18], [sflag:$0x2], $0x80, s20, s16, $0xb8;
	[tilespmem:$0x1E880] =	vst v63  }
0x34: {  	_ =	swait.ge [sflag:s15], $0x4000  }
0x35: {  	s23 =	simm.s32 $0x20;
	[sflag:s15] =	ssyncset.done $0x0  }
0x36: {  	s24 =	simm.s32 $0x280;
	s22 =	simm.s32 $0x180;
	[sflag:s15] =	ssyncadd.s32 $0xFFFFC000  }
.LBB2_2:
0x37: {  	[tilespmem:s18], [sflag:$0x1] =	stream.indirect.gather [hbm4b:s4+s16], $0x80, s22, s16, $0xb8;
	[tilespmem:$0x1E880] =	vst v63  }
0x38: {  	s25 =	smov.u32 s23;
	s22 =	smov.u32 s24  }
0x39: {  	p0 =	sne.s32 s23, $0x4C0;
	s23 =	sadd.s32 $0x20, s23;
	_ =	swait.ge [sflag:s19], $0x4000  }
0x3a: {  	[sflag:s19] =	ssyncset.done $0x0  }
0x3b: {  	s26 =	sadd.s32 s25, s13;
	[sflag:s19] =	ssyncadd.s32 $0xFFFFC000  }
0x3c: {  	[tilespmem:s20], [sflag:$0x2] =	stream.linear.gather [hbm4b:s26+s3], $0x80, $0x38;
	[tilespmem:$0x1E880] =	vst v63  }
0x3d: {  	_ =	swait.ge [sflag:s15], $0x80  }
0x3e: {  	[sflag:s15] =	ssyncset.done $0x0  }
0x3f: {  	[sflag:s15] =	ssyncadd.s32 $0xFFFFFF80  }
0x40: {  	[spmem:s2] =	stream.indirect.scatter.add.f32 [tilespmem:s17], [sflag:$0x2], $0x80, s20, s16, $0xb8;
	[tilespmem:$0x1E880] =	vst v63  }
0x41: {  	_ =	swait.ge [sflag:s15], $0x4000  }
0x42: {  	[sflag:s15] =	ssyncset.done $0x0  }
0x43: {  	s26 =	sadd.s32 $0xFFFFFF80, s24;
	[sflag:s15] =	ssyncadd.s32 $0xFFFFC000  }
0x44: {  	[tilespmem:s17], [sflag:$0x1] =	stream.indirect.gather [hbm4b:s4+s16], $0x80, s26, s16, $0xb8;
	[tilespmem:$0x1E880] =	vst v63  }
0x45: {  	_ =	swait.ge [sflag:s19], $0x4000  }
0x46: {  	[sflag:s19] =	ssyncset.done $0x0  }
0x47: {  	s25 =	sadd.s32 s25, s12;
	[sflag:s19] =	ssyncadd.s32 $0xFFFFC000  }
0x48: {  	[tilespmem:s20], [sflag:$0x2] =	stream.linear.gather [hbm4b:s25+s3], $0x80, $0x38;
	[tilespmem:$0x1E880] =	vst v63  }
0x49: {  	_ =	swait.ge [sflag:s15], $0x80  }
0x4a: {  	[sflag:s15] =	ssyncset.done $0x0  }
.Ltmp0:
0x4b: {  	[sflag:s15] =	ssyncadd.s32 $0xFFFFFF80;
	(pc) =	sbr.rel @p0 .LBB2_2-.Ltmp0, $4  }
0x4c: {  	[spmem:s2] =	stream.indirect.scatter.add.f32 [tilespmem:s18], [sflag:$0x2], $0x80, s20, s16, $0xb8;
	[tilespmem:$0x1E880] =	vst v63  }
0x4d: {  	_ =	swait.ge [sflag:s15], $0x4000  }
0x4e: {  	[sflag:s15] =	ssyncset.done $0x0  }
0x4f: {  	s24 =	sadd.s32 $0x100, s24;
	[sflag:s15] =	ssyncadd.s32 $0xFFFFC000  }
0x50: {  	[tilespmem:s18], [sflag:$0x1] =	stream.indirect.gather [hbm4b:s4+s16], $0x80, s22, s16, $0xb8;
	[tilespmem:$0x1E880] =	vst v63  }
0x51: {  	_ =	swait.ge [sflag:s19], $0x4000  }
0x52: {  	[sflag:s19] =	ssyncset.done $0x0  }
0x53: {  	[sflag:s19] =	ssyncadd.s32 $0xFFFFC000  }
0x54: {  	[tilespmem:s20], [sflag:$0x2] =	stream.linear.gather [hbm4b:s8+s3], $0x80, $0x38;
	[tilespmem:$0x1E880] =	vst v63  }
0x55: {  	_ =	swait.ge [sflag:s15], $0x80  }
0x56: {  	[sflag:s15] =	ssyncset.done $0x0  }
0x57: {  	[sflag:s15] =	ssyncadd.s32 $0xFFFFFF80  }
0x58: {  	[spmem:s2] =	stream.indirect.scatter.add.f32 [tilespmem:s17], [sflag:$0x2], $0x80, s20, s16, $0xb8;
	[tilespmem:$0x1E880] =	vst v63  }
0x59: {  	_ =	swait.ge [sflag:s15], $0x4000  }
0x5a: {  	[sflag:s15] =	ssyncset.done $0x0  }
0x5b: {  	[sflag:s15] =	ssyncadd.s32 $0xFFFFC000  }
0x5c: {  	_ =	swait.ge [sflag:s19], $0x4000  }
0x5d: {  	[sflag:s19] =	ssyncset.done $0x0  }
0x5e: {  	[sflag:s19] =	ssyncadd.s32 $0xFFFFC000  }
0x5f: {  	[tilespmem:s20], [sflag:$0x2] =	stream.linear.gather [hbm4b:s9+s3], $0x80, $0x38;
	[tilespmem:$0x1E880] =	vst v63  }
0x60: {  	_ =	swait.ge [sflag:s15], $0x80  }
0x61: {  	[sflag:s15] =	ssyncset.done $0x0  }
0x62: {  	[sflag:s15] =	ssyncadd.s32 $0xFFFFFF80  }
0x63: {  	[spmem:s2] =	stream.indirect.scatter.add.f32 [tilespmem:s18], [sflag:$0x2], $0x80, s20, s16, $0xb8;
	[tilespmem:$0x1E880] =	vst v63  }
0x64: {  	_ =	swait.ge [sflag:s15], $0x4000  }
0x65: {  	s21 =	sadd.s32 $0x1, s21;
	[sflag:s15] =	ssyncset.done $0x0  }
0x66: {  	p0 =	sne.s32 s21, s11;
	[sflag:s15] =	ssyncadd.s32 $0xFFFFC000  }
.Ltmp1:
0x67: {  	[bflag:$0x0] =	sbarrier.arrive $0xFFFF;
	(pc) =	sbr.rel @p0 .LBB2_1-.Ltmp1, $4  }
0x68: {  	[hbm:s10], [sflag:s6] =	dma.local [spmem:s14], $0x2800  }
0x69: {  	_ =	swait.ge [sflag:s15], $0x2800  }
0x6a: {  	[sflag:s15] =	ssyncset.done $0x0  }
0x6b: {  	[sflag:s15] =	ssyncadd.s32 $0xFFFFD800  }
0x6c: {  	_ =	sfence.sel $0x180000  }
0x6d: {  	[bflag:$0x0] =	sbarrier.arrive $0xFFFF  }
0x6e: {  	p0 =	sne.s32 s0, $0x0;
	_ =	strace $0x9000004D  }
0x6f: {  	s0 =	sadd.s32 @!p0 $0x100000, s1;
	[bflag:$0x2] =	sbarrier.arrive $0xFFFF  }
0x70: {  	[sflag:s0] =	ssyncadd.tile.s32 @!p0 $0x1;
	_ =	shalt  }
.Lfunc_end2:
_tile_overlayer_lowered:
.L_overlay_start_2:
0x71: {  	(tag) =	ssettag $0x2  }
0x72: {  	s0 =	rddreg [dreg:$0x0];
	s2 =	stileid.u32  }
0x73: {  	s1 =	rddreg [dreg:$0x1];
	p0 =	sne.s32 s2, $0x0  }
0x74: {  	s3 =	rddreg [dreg:$0x2];
	[bflag:$0x3] =	sbarrier.arrive $0xFFFF;
	s2 =	simm.s32 @!p0 $0x1C02  }
0x75: {  	[timem:s3], [sflag:s2] =	dma.local @!p0 [hbm:s0], s1  }
0x76: {  	s0 =	simm.s32 @!p0 $0x2  }
0x77: {  	_ =	swait.ge @!p0 [sflag:s0], s1  }
0x78: {  	s1 =	ssub.s32 @!p0 $0x0, s1;
	[sflag:s0] =	ssyncset.done @!p0 $0x0  }
0x79: {  	[sflag:s0] =	ssyncadd.s32 @!p0 s1  }
0x7a: {  	[bflag:$0x3] =	sbarrier.arrive $0xFFFF  }
0x7b: {  	_ =	shalt  }

// kernel: kernel.8.cloned.1.call-start
scs
__scs_entry_jumppad:
0x0: {  	(pc) =	sbr.rel $0x88, $3  }
0x1: {  	(tag) =	ssettag $0x0;
	lr =	simm.s32 $0x1  }
0x2: {  	[smem:$0x3F96] =	sst lr;
	_ =	strace $0xD0000000  }
0x3: {  	_ = 	snop  }
0x4: {  	_ = 	snop  }
0x5: {  	_ = 	snop  }
0x6: {  	_ = 	snop  }
0x7: {  	_ = 	snop  }
__scs_overlays_trampoline_lowered:
0x8: {  	[smem:$0x3FA5] =	sst s0  }
0x9: {  	[smem:$0x3FA6] =	sst s1  }
0xa: {  	[smem:$0x3FA7] =	sst s2  }
0xb: {  	[smem:$0x3FA8] =	sst s3  }
0xc: {  	[smem:$0x3FA9] =	sst s4  }
0xd: {  	[smem:$0x3FAA] =	sst s5  }
0xe: {  	[smem:$0x3FAB] =	sst s6  }
0xf: {  	[smem:$0x3FAC] =	sst s7  }
0x10: {  	[smem:$0x3FAD] =	sst s8  }
0x11: {  	[smem:$0x3FAE] =	sst s9;
	s0 =	simm.s32 @!p0 $0x0  }
0x12: {  	s1 =	sld [smem:$0x3F94];
	s0 =	simm.s32 @p0 $0x1  }
0x13: {  	[smem:$0x3FAF] =	sst s0;
	s0 =	simm.s32 @!p1 $0x0  }
0x14: {  	s2 =	sld [smem:$0x3F93];
	s0 =	simm.s32 @p1 $0x1  }
0x15: {  	[smem:$0x3FB0] =	sst s0;
	s0 =	simm.s32 @!p2 $0x0  }
0x16: {  	s3 =	sld [smem:$0x3FDB];
	s0 =	simm.s32 @p2 $0x1  }
0x17: {  	s4 =	simm.s32 $0x1BF5;
	[smem:$0x3FB2] =	sst s0  }
0x18: {  	s0 =	sld [smem:$0x3F95];
	_ =	swait.ge [sflag:s4], $0x0  }
0x19: {  	s7 =	sld [smem:$0x3F96]  }
0x1a: {  	s8 =	sadd.s32 $0xFFFFE003, lr  }
0x1b: {  	s9 =	sadd.s32 $0xFFFFFEF7, lr;
	s5 =	simm.s32 $0xFFFFFFFF;
	p2 =	slt.u32 s8, $0xFFFFF086  }
0x1c: {  	p1 =	slt.u32 s9, $0xF7A;
	s5 =	simm.s32 @!p2 $0x0  }
0x1d: {  	s5 =	simm.s32 @p1 $0x1;
	p0 =	seq.s32 s7, s2  }
0x1e: {  	s7 =	smul.u32 @!p0 $0xF7A, s2;
	p2 =	seq.s32 @!p0 s5, $0x0  }
0x1f: {  	s9 =	smul.u32 $0xF7A, s1;
	s8 =	simm.s32 @!p0 $0x1BF5;
	p2 =	por !p2, p0  }
0x20: {  	[sflag:s8] =	ssyncset.s32 @!p0 $0xFFFFF086;
	s6 =	sadd.s32 @!p0 s3, s7;
	s7 =	simm.s32 @!p0 $0x108  }
0x21: {  	s3 =	sadd.s32 s3, s9;
	s6 =	sadd.s32 @!p0 $0x88, s6;
	s7 =	simm.s32 @p2 $0x1082  }
0x22: {  	[simem:s7], [sflag:s8] =	dma.local @!p0 [hbm:s6], $0xF7A  }
0x23: {  	s9 =	sor.u32 $0xD0000000, s2;
	s6 =	simm.s32 $0x108;
	_ =	swait.ge @!p0 [sflag:s8], $0x0  }
0x24: {  	s3 =	sadd.s32 $0x88, s3;
	s6 =	simm.s32 @!p1 $0x1082;
	[sflag:s4] =	ssyncset.s32 $0xFFFFF086  }
0x25: {  	[simem:s6], [sflag:s4] =	dma.local [hbm:s3], $0xF7A  }
0x26: {  	[smem:$0x3F96] =	sst s1;
	(tag) =	ssettag s2;
	_ =	strace s9  }
0x27: {  	s1 =	sld [smem:$0x3FA6]  }
0x28: {  	s2 =	sld [smem:$0x3FA7]  }
0x29: {  	s4 =	sld [smem:$0x3FA9]  }
0x2a: {  	p0 =	seq.s32 s5, $0x0;
	s5 =	sld [smem:$0x3FAA]  }
0x2b: {  	s6 =	sld [smem:$0x3FAB]  }
0x2c: {  	s7 =	sld [smem:$0x3FAC]  }
0x2d: {  	s3 =	simm.s32 $0x108;
	s8 =	sld [smem:$0x3FAD]  }
0x2e: {  	s3 =	simm.s32 @!p0 $0x1082;
	s9 =	sld [smem:$0x3FAE]  }
0x2f: {  	lr =	sadd.s32 s0, s3;
	s0 =	sld [smem:$0x3FA5]  }
0x30: {  	s3 =	sld [smem:$0x3FA8]  }
0x31: {  	[smem:$0x3FB1] =	sst s10  }
0x32: {  	s10 =	sld [smem:$0x3FAF];
	_ =	sdelay $0x3  }
0x33: {  	p0 =	seq.s32 s10, $0x1;
	s10 =	sld [smem:$0x3FB1];
	_ =	sdelay $0x3  }
0x34: {  	[smem:$0x3FB1] =	sst s10  }
0x35: {  	s10 =	sld [smem:$0x3FB0];
	_ =	sdelay $0x3  }
0x36: {  	p1 =	seq.s32 s10, $0x1;
	s10 =	sld [smem:$0x3FB1];
	_ =	sdelay $0x3  }
0x37: {  	[smem:$0x3FB1] =	sst s10  }
0x38: {  	s10 =	sld [smem:$0x3FB2]  }
0x39: {  	_ = 	snop;
	(pc) =	sbr.ind lr, $3  }
0x3a: {  	_ = 	snop  }
0x3b: {  	_ = 	snop  }
0x3c: {  	p2 =	seq.s32 s10, $0x1;
	s10 =	sld [smem:$0x3FB1]  }
0x3d: {  	_ =	shalt  }
0x3e: {  	_ =	shalt  }
0x3f: {  	_ =	shalt  }
0x40: {  	_ =	shalt  }
0x41: {  	_ =	shalt  }
0x42: {  	_ =	shalt  }
0x43: {  	_ =	shalt  }
0x44: {  	_ =	shalt  }
0x45: {  	_ =	shalt  }
0x46: {  	_ =	shalt  }
0x47: {  	_ =	shalt  }
0x48: {  	_ =	shalt  }
0x49: {  	_ =	shalt  }
0x4a: {  	_ =	shalt  }
0x4b: {  	_ =	shalt  }
0x4c: {  	_ =	shalt  }
0x4d: {  	_ =	shalt  }
0x4e: {  	_ =	shalt  }
0x4f: {  	_ =	shalt  }
0x50: {  	_ =	shalt  }
0x51: {  	_ =	shalt  }
0x52: {  	_ =	shalt  }
0x53: {  	_ =	shalt  }
0x54: {  	_ =	shalt  }
0x55: {  	_ =	shalt  }
0x56: {  	_ =	shalt  }
0x57: {  	_ =	shalt  }
0x58: {  	_ =	shalt  }
0x59: {  	_ =	shalt  }
0x5a: {  	_ =	shalt  }
0x5b: {  	_ =	shalt  }
0x5c: {  	_ =	shalt  }
0x5d: {  	_ =	shalt  }
0x5e: {  	_ =	shalt  }
0x5f: {  	_ =	shalt  }
0x60: {  	_ =	shalt  }
0x61: {  	_ =	shalt  }
0x62: {  	_ =	shalt  }
0x63: {  	_ =	shalt  }
0x64: {  	_ =	shalt  }
0x65: {  	_ =	shalt  }
0x66: {  	_ =	shalt  }
0x67: {  	_ =	shalt  }
0x68: {  	_ =	shalt  }
0x69: {  	_ =	shalt  }
0x6a: {  	_ =	shalt  }
0x6b: {  	_ =	shalt  }
0x6c: {  	_ =	shalt  }
0x6d: {  	_ =	shalt  }
0x6e: {  	_ =	shalt  }
0x6f: {  	_ =	shalt  }
0x70: {  	_ =	shalt  }
0x71: {  	_ =	shalt  }
0x72: {  	_ =	shalt  }
0x73: {  	_ =	shalt  }
0x74: {  	_ =	shalt  }
0x75: {  	_ =	shalt  }
0x76: {  	_ =	shalt  }
0x77: {  	_ =	shalt  }
0x78: {  	_ =	shalt  }
0x79: {  	_ =	shalt  }
0x7a: {  	_ =	shalt  }
0x7b: {  	_ =	shalt  }
0x7c: {  	_ =	shalt  }
0x7d: {  	_ =	shalt  }
0x7e: {  	_ =	shalt  }
0x7f: {  	_ =	shalt  }
0x80: {  	_ =	shalt  }
0x81: {  	_ =	shalt  }
0x82: {  	_ =	shalt  }
0x83: {  	_ =	shalt  }
0x84: {  	_ =	shalt  }
0x85: {  	_ =	shalt  }
0x86: {  	_ =	shalt  }
0x87: {  	_ =	shalt  }
.Lfunc_end0:
.L_simem_size_0:
called_computation_lowered:
.L_overlay_start_0:
0x88: {  	s2 =	sld [smem:$0x3FD9]  }
0x89: {  	s3 =	sld [smem:$0x3FFE];
	_ =	sdelay $0x1  }
0x8a: {  	s1 =	srdreg.scid  }
0x8b: {  	s0 =	sand.u32 $0x1, s1  }
0x8c: {  	s16 =	sshll.u32 s0, $0xA;
	s2 =	sadd.s32 s3, s2  }
0x8d: {  	s2 =	sadd.s32 s2, s16  }
0x8e: {  	[smem:$0x3FBD] =	sst s2  }
0x8f: {  	_ = 	snop  }
0x90: {  	(tm) =	ssettm $0x1  }
0x91: {  	s17 =	sld [smem:$0x3FFB];
	_ =	sdelay $0x3  }
0x92: {  	_ =	strace s17  }
0x93: {  	s2 =	sld [smem:$0x3FFC];
	_ =	sdelay $0x3  }
0x94: {  	_ =	strace s2  }
0x95: {  	s2 =	sld [smem:$0x3FFD];
	_ =	sdelay $0x3  }
0x96: {  	_ =	strace s2  }
0x97: {  	_ =	strace $0x8FFFFFFF  }
0x98: {  	s18 =	sld [smem:$0x3FDB];
	_ =	sdelay $0x1  }
0x99: {  	s19 =	simm.s32 $_scs_section_size  }
0x9a: {  	s4 =	simm.s32 $_size__tile_overlayer_lowered;
	s5 =	simm.s32 $_tile_overlayer_lowered  }
0x9b: {  	s22 =	simm.s32 $0x1BFF;
	s21 =	sshll.u32 s5, $0x1;
	s2 =	sadd.s32 s19, s18  }
0x9c: {  	s6 =	simm.s32 $0x0;
	s20 =	sshll.u32 s4, $0x1;
	s4 =	sadd.s32 s21, s2  }
0x9d: {  	[timem:s6], [sflag:s22] =	dma.local [hbm:s4], s20  }
0x9e: {  	_ =	swait.ge [sflag:s22], s20  }
0x9f: {  	s3 =	ssub.s32 $0x0, s20;
	[sflag:s22] =	ssyncset.done $0x0  }
0xa0: {  	[sflag:s22] =	ssyncadd.s32 s3;
	_ =	sdelay $0x1  }
0xa1: {  	s23 =	simm.s32 $0x1B8B  }
0xa2: {  	_ =	swait.ge [sflag:s23], $0x1  }
0xa3: {  	[sflag:s23] =	ssyncset.done $0x0  }
0xa4: {  	s25 =	simm.s32 $0x1B8E;
	s24 =	sld [smem:$0x3FFE];
	[sflag:s23] =	ssyncadd.s32 $0xFFFFFFFF  }
0xa5: {  	s26 =	simm.s32 $execute0_lowered;
	[smem:$0x3FD2] =	sst s25  }
0xa6: {  	s4 =	sshll.u32 s26, $0x1;
	_ =	strace $0x80000046;
	[dreg:$0x1] =	wrdreg $0xFFFFFFFF  }
0xa7: {  	s28 =	simm.s32 $_size_execute0_lowered;
	s2 =	sadd.s32 s2, s4;
	[dreg:$0x0] =	wrdreg $0x0  }
0xa8: {  	s4 =	sshll.u32 s28, $0x1;
	[dreg:$0x2] =	wrdreg s2  }
0xa9: {  	[dreg:$0x3] =	wrdreg s4  }
0xaa: {  	[dreg:$0x4] =	wrdreg $0xC0  }
0xab: {  	_ =	task [dreg:s6], $0x5FFFF  }
0xac: {  	[dreg:$0x1] =	wrdreg $0xFFFFFFFF  }
0xad: {  	[dreg:$0x0] =	wrdreg $0x60  }
0xae: {  	[dreg:$0x2] =	wrdreg s24  }
0xaf: {  	[dreg:$0x3] =	wrdreg $0x2800  }
0xb0: {  	[dreg:$0x4] =	wrdreg $0x9  }
0xb1: {  	_ =	task.clear_ibuf [dreg:s6], $0x5FFFF;
	_ =	strace $0x90000046  }
0xb2: {  	s29 =	simm.s32 $0x9;
	_ =	strace $0x80000048  }
0xb3: {  	_ =	swait.ge [sflag:s29], $0x1  }
0xb4: {  	[sflag:s29] =	ssyncadd.s32 $0xFFFFFFFF  }
0xb5: {  	_ =	strace $0x90000048  }
0xb6: {  	_ =	sfence  }
0xb7: {  	s30 =	sld [smem:$0x0];
	_ =	sdelay $0x2  }
0xb8: {  	s31 =	sshll.u32 s1, $0xD;
	s1 =	sshrl.u32 s1, $0x2  }
0xb9: {  	s3 =	sand.u32 $0x4000, s31;
	s1 =	sadd.s32 s1, s30  }
0xba: {  	s0 =	sor.u32 s3, s0;
	s1 =	sshll.u32 s1, $0x11  }
0xbb: {  	s0 =	sor.u32 s1, s0  }
0xbc: {  	s0 =	sadd.s32 $0x8F2B, s0  }
0xbd: {  	[sflag:s0] =	ssyncadd.remote.s32 $0x1  }
0xbe: {  	_ =	sfence.sel $0xFFFF  }
0xbf: {  	[dreg:$0x0] =	wrdreg $0xFFFFFFFF;
	(pc) =	sbr.abs _section_cstart, $3  }
0xc0: {  	[dreg:$0x1] =	wrdreg $0xFFFFFFFF  }
0xc1: {  	_ =	task.clear_ibuf [dreg:s6], $0x2FFFF;
	_ =	strace $0x9FFFFFFF  }
0xc2: {  	(tm) =	ssettm $0x7FFFFFFF  }
0xc3: {  	_ =	shalt  }
tec
execute0_lowered:
.L_overlay_start_1:
0x0: {  	(tag) =	ssettag $0x1  }
0x1: {  	s4 =	rddreg [dreg:$0x0]  }
0x2: {  	s2 =	rddreg [dreg:$0x1]  }
0x3: {  	s0 =	rddreg [dreg:$0x2]  }
0x4: {  	s3 =	simm.s32 $0x0;
	s1 =	stileid.u32;
	s6 =	srdreg.scid  }
0x5: {  	s19 =	simm.s32 $0x100;
	s20 =	simm.s32 $0x180;
	s5 =	smul.u32 $0x280, s1  }
0x6: {  	[smem:$0x7FF] =	sst s3;
	s15 =	sadd.s32 $0x2600, s4;
	s7 =	smul.u32 $0x500, s1  }
0x7: {  	s6 =	sand.u32 $0x1, s6;
	s25 =	smul.u32 $0x2800, s1;
	s26 =	sshll.u32 s1, $0x6  }
0x8: {  	_ =	strace $0x80000047;
	s9 =	sshll.u32 s6, $0x7;
	s10 =	sshll.u32 s6, $0x4  }
0x9: {  	s22 =	ssub.s32 $0x2, s6;
	s24 =	smul.u32 $0x28000, s6;
	s8 =	sshrl.u32 s5, $0x3  }
0xa: {  	s7 =	sor.u32 s9, s7;
	s21 =	sor.u32 s1, s10;
	s23 =	sshrl.u32 s22, $0x1  }
0xb: {  	s16 =	sadd.s32 s5, s2;
	s5 =	sor.u32 $0x1C02, s26;
	s8 =	sadd.s32 s8, s4  }
0xc: {  	s7 =	sshrl.u32 s7, $0x3;
	s9 =	smul.u32 $0x2800, s21;
	s12 =	ssub.s32 s22, s23  }
0xd: {  	s13 =	sadd.s32 s25, s24;
	s16 =	sshrl.u32 s16, $0x3;
	s21 =	simm.s32 $0x1  }
0xe: {  	s22 =	simm.s32 $0x200;
	s23 =	simm.s32 $0x20;
	s24 =	simm.s32 $0x10  }
0xf: {  	s25 =	simm.s32 $0x0;
	s11 =	sadd.s32 s7, s4;
	s4 =	sadd.s32 $0xC600, s8  }
0x10: {  	s14 =	sor.u32 $0x380, s13;
	s29 =	sor.u32 $0x300, s13;
	s17 =	sor.u32 $0x280, s13  }
0x11: {  	s18 =	sor.u32 $0x200, s13;
	s28 =	sshrl.u32 s9, $0x3;
	s10 =	sadd.s32 $0xCC00, s11  }
0x12: {  	s14 =	sshrl.u32 s14, $0x3;
	s11 =	smax.u32 s12, $0x1;
	s30 =	sshrl.u32 s17, $0x3  }
0x13: {  	s31 =	sshrl.u32 s18, $0x3;
	s17 =	simm.s32 $0x2;
	s18 =	simm.s32 $0x80  }
0x14: {  	s6 =	sadd.s32 s15, s28;
	s12 =	sadd.s32 s14, s15;
	s14 =	sshrl.u32 s29, $0x3  }
0x15: {  	s7 =	sadd.s32 $0x10, s6;
	s8 =	sadd.s32 $0x20, s6;
	s9 =	sadd.s32 $0x30, s6  }
0x16: {  	v0 =	vimm.f32 $1.000000000e+00;
	s13 =	sadd.s32 s14, s15;
	s14 =	sadd.s32 s30, s15;
	s15 =	sadd.s32 s31, s15  }
.LBB2_1:
0x17: {  	[tilespmem:$0x200] =	vst v0  }
0x18: {  	[tilespmem:$0x210] =	vst v0  }
0x19: {  	[tilespmem:$0x220] =	vst v0  }
0x1a: {  	[tilespmem:$0x230] =	vst v0  }
0x1b: {  	[tilespmem:$0x240] =	vst v0  }
0x1c: {  	[tilespmem:$0x250] =	vst v0  }
0x1d: {  	[tilespmem:$0x260] =	vst v0  }
0x1e: {  	[tilespmem:$0x270] =	vst v0  }
0x1f: {  	[spmem:s16], [sflag:s5] =	dma.local [hbm:s4], $0x50  }
0x20: {  	_ =	swait.ge [sflag:s17], $0x50  }
0x21: {  	[sflag:s17] =	ssyncset.done $0x0  }
0x22: {  	[sflag:s17] =	ssyncadd.s32 $0xFFFFFFB0  }
0x23: {  	[bflag:$0x0] =	sbarrier.arrive $0xFFFF  }
0x24: {  	[tilespmem:s3], [sflag:$0x1] =	stream.linear.gather [hbm4b:s6+s3], $0x80, $0x38;
	[tilespmem:$0x500] =	vst v63  }
0x25: {  	_ = 	snop  }
0x26: {  	[tilespmem:s18], [sflag:$0x1] =	stream.linear.gather [hbm4b:s7+s3], $0x80, $0x38;
	[tilespmem:$0x500] =	vst v63  }
0x27: {  	_ = 	snop  }
0x28: {  	[tilespmem:s19], [sflag:$0x1] =	stream.linear.gather [hbm4b:s8+s3], $0x80, $0x38;
	[tilespmem:$0x500] =	vst v63  }
0x29: {  	_ = 	snop  }
0x2a: {  	[tilespmem:s20], [sflag:$0x1] =	stream.linear.gather [hbm4b:s9+s3], $0x80, $0x38;
	[tilespmem:$0x500] =	vst v63  }
0x2b: {  	_ =	swait.ge [sflag:s21], $0x80  }
0x2c: {  	[sflag:s21] =	ssyncset.done $0x0  }
0x2d: {  	[sflag:s21] =	ssyncadd.s32 $0xFFFFFF80  }
0x2e: {  	[spmem:s2] =	stream.indirect.scatter.add.f32 [tilespmem:s22], [sflag:$0x2], $0x1, s3, s18, $0xb8;
	[tilespmem:$0x500] =	vst v63  }
0x2f: {  	_ =	swait.ge [sflag:s17], $0x80  }
0x30: {  	[sflag:s17] =	ssyncset.done $0x0  }
0x31: {  	s26 =	sadd.s32 $0x0, s15;
	[sflag:s17] =	ssyncadd.s32 $0xFFFFFF80  }
0x32: {  	[tilespmem:s3], [sflag:$0x1] =	stream.linear.gather [hbm4b:s26+s3], $0x80, $0x38;
	[tilespmem:$0x500] =	vst v63  }
0x33: {  	_ =	swait.ge [sflag:s21], $0x80  }
0x34: {  	[sflag:s21] =	ssyncset.done $0x0  }
0x35: {  	[sflag:s21] =	ssyncadd.s32 $0xFFFFFF80  }
0x36: {  	[spmem:s2] =	stream.indirect.scatter.add.f32 [tilespmem:s22], [sflag:$0x2], $0x1, s18, s18, $0xb8;
	[tilespmem:$0x500] =	vst v63  }
0x37: {  	_ =	swait.ge [sflag:s17], $0x80  }
0x38: {  	[sflag:s17] =	ssyncset.done $0x0  }
0x39: {  	s30 =	sadd.s32 $0x0, s14;
	[sflag:s17] =	ssyncadd.s32 $0xFFFFFF80  }
0x3a: {  	[tilespmem:s18], [sflag:$0x1] =	stream.linear.gather [hbm4b:s30+s3], $0x80, $0x38;
	[tilespmem:$0x500] =	vst v63  }
0x3b: {  	_ =	swait.ge [sflag:s21], $0x80  }
0x3c: {  	[sflag:s21] =	ssyncset.done $0x0  }
0x3d: {  	[sflag:s21] =	ssyncadd.s32 $0xFFFFFF80  }
0x3e: {  	[spmem:s2] =	stream.indirect.scatter.add.f32 [tilespmem:s22], [sflag:$0x2], $0x1, s19, s18, $0xb8;
	[tilespmem:$0x500] =	vst v63  }
0x3f: {  	_ =	swait.ge [sflag:s17], $0x80  }
0x40: {  	[sflag:s17] =	ssyncset.done $0x0  }
0x41: {  	s31 =	sadd.s32 $0x0, s13;
	[sflag:s17] =	ssyncadd.s32 $0xFFFFFF80  }
0x42: {  	[tilespmem:s19], [sflag:$0x1] =	stream.linear.gather [hbm4b:s31+s3], $0x80, $0x38;
	[tilespmem:$0x500] =	vst v63  }
0x43: {  	_ =	swait.ge [sflag:s21], $0x80  }
0x44: {  	[sflag:s21] =	ssyncset.done $0x0  }
0x45: {  	[sflag:s21] =	ssyncadd.s32 $0xFFFFFF80  }
0x46: {  	[spmem:s2] =	stream.indirect.scatter.add.f32 [tilespmem:s22], [sflag:$0x2], $0x1, s20, s18, $0xb8;
	[tilespmem:$0x500] =	vst v63  }
0x47: {  	_ =	swait.ge [sflag:s17], $0x80  }
0x48: {  	[sflag:s17] =	ssyncset.done $0x0  }
0x49: {  	s28 =	sadd.s32 $0x0, s12;
	s26 =	simm.s32 $0x40;
	[sflag:s17] =	ssyncadd.s32 $0xFFFFFF80  }
.LBB2_2:
0x4a: {  	[tilespmem:s20], [sflag:$0x1] =	stream.linear.gather [hbm4b:s28+s3], $0x80, $0x38;
	[tilespmem:$0x500] =	vst v63  }
0x4b: {  	s28 =	smov.u32 s26  }
0x4c: {  	p0 =	sne.s32 s26, $0x480;
	s26 =	sadd.s32 $0x40, s26;
	_ =	swait.ge [sflag:s21], $0x80  }
0x4d: {  	[sflag:s21] =	ssyncset.done $0x0  }
0x4e: {  	[sflag:s21] =	ssyncadd.s32 $0xFFFFFF80  }
0x4f: {  	[spmem:s2] =	stream.indirect.scatter.add.f32 [tilespmem:s22], [sflag:$0x2], $0x1, s3, s18, $0xb8;
	[tilespmem:$0x500] =	vst v63  }
0x50: {  	_ =	swait.ge [sflag:s17], $0x80  }
0x51: {  	[sflag:s17] =	ssyncset.done $0x0  }
0x52: {  	s29 =	sadd.s32 s28, s15;
	[sflag:s17] =	ssyncadd.s32 $0xFFFFFF80  }
0x53: {  	[tilespmem:s3], [sflag:$0x1] =	stream.linear.gather [hbm4b:s29+s3], $0x80, $0x38;
	[tilespmem:$0x500] =	vst v63  }
0x54: {  	_ =	swait.ge [sflag:s21], $0x80  }
0x55: {  	[sflag:s21] =	ssyncset.done $0x0  }
0x56: {  	[sflag:s21] =	ssyncadd.s32 $0xFFFFFF80  }
0x57: {  	[spmem:s2] =	stream.indirect.scatter.add.f32 [tilespmem:s22], [sflag:$0x2], $0x1, s18, s18, $0xb8;
	[tilespmem:$0x500] =	vst v63  }
0x58: {  	_ =	swait.ge [sflag:s17], $0x80  }
0x59: {  	[sflag:s17] =	ssyncset.done $0x0  }
0x5a: {  	s29 =	sadd.s32 s28, s14;
	[sflag:s17] =	ssyncadd.s32 $0xFFFFFF80  }
0x5b: {  	[tilespmem:s18], [sflag:$0x1] =	stream.linear.gather [hbm4b:s29+s3], $0x80, $0x38;
	[tilespmem:$0x500] =	vst v63  }
0x5c: {  	_ =	swait.ge [sflag:s21], $0x80  }
0x5d: {  	[sflag:s21] =	ssyncset.done $0x0  }
0x5e: {  	[sflag:s21] =	ssyncadd.s32 $0xFFFFFF80  }
0x5f: {  	[spmem:s2] =	stream.indirect.scatter.add.f32 [tilespmem:s22], [sflag:$0x2], $0x1, s19, s18, $0xb8;
	[tilespmem:$0x500] =	vst v63  }
0x60: {  	_ =	swait.ge [sflag:s17], $0x80  }
0x61: {  	[sflag:s17] =	ssyncset.done $0x0  }
0x62: {  	s29 =	sadd.s32 s28, s13;
	[sflag:s17] =	ssyncadd.s32 $0xFFFFFF80  }
0x63: {  	[tilespmem:s19], [sflag:$0x1] =	stream.linear.gather [hbm4b:s29+s3], $0x80, $0x38;
	[tilespmem:$0x500] =	vst v63  }
0x64: {  	_ =	swait.ge [sflag:s21], $0x80  }
0x65: {  	[sflag:s21] =	ssyncset.done $0x0  }
.Ltmp0:
0x66: {  	[sflag:s21] =	ssyncadd.s32 $0xFFFFFF80;
	(pc) =	sbr.rel @p0 .LBB2_2-.Ltmp0, $4  }
0x67: {  	[spmem:s2] =	stream.indirect.scatter.add.f32 [tilespmem:s22], [sflag:$0x2], $0x1, s20, s18, $0xb8;
	[tilespmem:$0x500] =	vst v63  }
0x68: {  	_ =	swait.ge [sflag:s17], $0x80  }
0x69: {  	[sflag:s17] =	ssyncset.done $0x0  }
0x6a: {  	s28 =	sadd.s32 s28, s12;
	[sflag:s17] =	ssyncadd.s32 $0xFFFFFF80  }
0x6b: {  	[tilespmem:s20], [sflag:$0x1] =	stream.linear.gather [hbm4b:s28+s3], $0x80, $0x38;
	[tilespmem:$0x500] =	vst v63  }
0x6c: {  	_ =	swait.ge [sflag:s21], $0x80  }
0x6d: {  	[sflag:s21] =	ssyncset.done $0x0  }
0x6e: {  	[sflag:s21] =	ssyncadd.s32 $0xFFFFFF80  }
0x6f: {  	[spmem:s2] =	stream.indirect.scatter.add.f32 [tilespmem:s22], [sflag:$0x2], $0x1, s3, s18, $0xb8;
	[tilespmem:$0x500] =	vst v63  }
0x70: {  	_ =	swait.ge [sflag:s17], $0x80  }
0x71: {  	[sflag:s17] =	ssyncset.done $0x0  }
0x72: {  	[sflag:s17] =	ssyncadd.s32 $0xFFFFFF80  }
0x73: {  	_ =	swait.ge [sflag:s21], $0x80  }
0x74: {  	[sflag:s21] =	ssyncset.done $0x0  }
0x75: {  	[sflag:s21] =	ssyncadd.s32 $0xFFFFFF80  }
0x76: {  	[spmem:s2] =	stream.indirect.scatter.add.f32 [tilespmem:s22], [sflag:$0x2], $0x1, s18, s18, $0xb8;
	[tilespmem:$0x500] =	vst v63  }
0x77: {  	_ =	swait.ge [sflag:s17], $0x80  }
0x78: {  	[sflag:s17] =	ssyncset.done $0x0  }
0x79: {  	[sflag:s17] =	ssyncadd.s32 $0xFFFFFF80  }
0x7a: {  	_ =	swait.ge [sflag:s21], $0x80  }
0x7b: {  	[sflag:s21] =	ssyncset.done $0x0  }
0x7c: {  	[sflag:s21] =	ssyncadd.s32 $0xFFFFFF80  }
0x7d: {  	[spmem:s2] =	stream.indirect.scatter.add.f32 [tilespmem:s22], [sflag:$0x2], $0x1, s19, s18, $0xb8;
	[tilespmem:$0x500] =	vst v63  }
0x7e: {  	_ =	swait.ge [sflag:s17], $0x80  }
0x7f: {  	[sflag:s17] =	ssyncset.done $0x0  }
0x80: {  	[sflag:s17] =	ssyncadd.s32 $0xFFFFFF80  }
0x81: {  	_ =	swait.ge [sflag:s21], $0x80  }
0x82: {  	[sflag:s21] =	ssyncset.done $0x0  }
0x83: {  	[sflag:s21] =	ssyncadd.s32 $0xFFFFFF80  }
0x84: {  	[spmem:s2] =	stream.indirect.scatter.add.f32 [tilespmem:s22], [sflag:$0x2], $0x1, s20, s18, $0xb8;
	[tilespmem:$0x500] =	vst v63  }
0x85: {  	_ =	swait.ge [sflag:s17], $0x80  }
0x86: {  	s25 =	sadd.s32 $0x1, s25;
	[sflag:s17] =	ssyncset.done $0x0  }
0x87: {  	p0 =	sne.s32 s25, s11;
	[sflag:s17] =	ssyncadd.s32 $0xFFFFFF80  }
.Ltmp1:
0x88: {  	[bflag:$0x0] =	sbarrier.arrive $0xFFFF;
	(pc) =	sbr.rel @p0 .LBB2_1-.Ltmp1, $4  }
0x89: {  	[hbm:s10@s23], [sflag:s5] =	dma.strided [spmem:s16@s24], $0x50, s21, $0x10   }
0x8a: {  	_ =	swait.ge [sflag:s17], $0x50  }
0x8b: {  	[sflag:s17] =	ssyncset.done $0x0  }
0x8c: {  	[sflag:s17] =	ssyncadd.s32 $0xFFFFFFB0  }
0x8d: {  	_ =	sfence.sel $0x180000  }
0x8e: {  	[bflag:$0x0] =	sbarrier.arrive $0xFFFF  }
0x8f: {  	p0 =	sne.s32 s1, $0x0;
	_ =	strace $0x90000047  }
0x90: {  	s0 =	sadd.s32 @!p0 $0x100000, s0;
	[bflag:$0x2] =	sbarrier.arrive $0xFFFF  }
0x91: {  	[sflag:s0] =	ssyncadd.tile.s32 @!p0 $0x1;
	_ =	shalt  }
.Lfunc_end2:
_tile_overlayer_lowered:
.L_overlay_start_2:
0x92: {  	(tag) =	ssettag $0x2  }
0x93: {  	s0 =	rddreg [dreg:$0x0];
	s2 =	stileid.u32  }
0x94: {  	s1 =	rddreg [dreg:$0x1];
	p0 =	sne.s32 s2, $0x0  }
0x95: {  	s3 =	rddreg [dreg:$0x2];
	[bflag:$0x3] =	sbarrier.arrive $0xFFFF;
	s2 =	simm.s32 @!p0 $0x1C02  }
0x96: {  	[timem:s3], [sflag:s2] =	dma.local @!p0 [hbm:s0], s1  }
0x97: {  	s0 =	simm.s32 @!p0 $0x2  }
0x98: {  	_ =	swait.ge @!p0 [sflag:s0], s1  }
0x99: {  	s1 =	ssub.s32 @!p0 $0x0, s1;
	[sflag:s0] =	ssyncset.done @!p0 $0x0  }
0x9a: {  	[sflag:s0] =	ssyncadd.s32 @!p0 s1  }
0x9b: {  	[bflag:$0x3] =	sbarrier.arrive $0xFFFF  }
0x9c: {  	_ =	shalt  }

</sc_bundles>
